<compile_context>
chip_gen: v7x
topology: tpu7x:2x2x1
jax: 0.10.2.dev20260603
libtpu: 0.0.44.dev20260713+nightly
codegen_flags: <defaults>
</compile_context>

<pallas_src>
import functools
import jax
import jax.numpy as jnp
from jax import lax
from jax.experimental import pallas as pl
from jax.experimental.pallas import tpu as pltpu
from jax.experimental.pallas import tpu_sc as plsc

NUM_TOKENS = 100000
HIDDEN_SIZE = 128
NUM_CORES = 2
NUM_SUBCORES = 16
NUM_WORKERS = NUM_CORES * NUM_SUBCORES
MAIN_ROWS = 99840
ROWS_PER_WORKER = MAIN_ROWS // NUM_WORKERS
CH = 312
NCH = ROWS_PER_WORKER // CH
TAIL_ROWS = NUM_TOKENS - MAIN_ROWS


def kernel(embedding_weight):
    mesh = plsc.VectorSubcoreMesh(core_axis_name="c", subcore_axis_name="s")

    @functools.partial(
        pl.kernel,
        mesh=mesh,
        out_type=jax.ShapeDtypeStruct((1, NUM_TOKENS, HIDDEN_SIZE), jnp.float32),
        scratch_types=[
            pltpu.VMEM((2, CH, HIDDEN_SIZE), jnp.float32),
            pltpu.SemaphoreType.DMA((2,)),
            pltpu.SemaphoreType.DMA((2,)),
        ],
    )
    def sc_copy(in_hbm, out_hbm, buf, isems, osems):
        wid = lax.axis_index("s") * NUM_CORES + lax.axis_index("c")
        base = wid * ROWS_PER_WORKER

        def in_cp(c):
            b = c % 2
            return pltpu.async_copy(
                in_hbm.at[pl.ds(base + c * CH, CH), :], buf.at[b], isems.at[b])

        def out_cp(c):
            b = c % 2
            return pltpu.async_copy(
                buf.at[b], out_hbm.at[0, pl.ds(base + c * CH, CH), :], osems.at[b])

        handles = [None] * NCH
        out_handles = [None] * NCH
        handles[0] = in_cp(0)
        for c in range(NCH):
            if c + 1 < NCH:
                if c >= 1:
                    out_handles[c - 1].wait()
                handles[c + 1] = in_cp(c + 1)
            handles[c].wait()
            out_handles[c] = out_cp(c)
        out_handles[NCH - 2].wait()
        out_handles[NCH - 1].wait()

        @pl.when(wid < TAIL_ROWS // 8)
        def _tail():
            tbase = MAIN_ROWS + wid * 8
            pltpu.sync_copy(
                in_hbm.at[pl.ds(tbase, 8), :], buf.at[0, pl.ds(0, 8), :])
            pltpu.sync_copy(
                buf.at[0, pl.ds(0, 8), :], out_hbm.at[0, pl.ds(tbase, 8), :])

    return sc_copy(embedding_weight)

# --- scband reference (transcript-rebuilt; emitter-appended) ---
"""Pipeline reference for scband-petencoder-64123861729558 (READ-ONLY COPY).

The authoritative reference and input builder live on the scoring server;
editing this copy changes nothing except your own understanding.
"""

import jax, jax.numpy as jnp
import numpy as np

NUM_TOKENS = 100000
HIDDEN_SIZE = 128

def setup_inputs(seed: int = 0) -> dict:
    key = jax.random.key(seed)
    # nn.Embedding default init: N(0, 1)
    embedding_weight = jax.random.normal(key, (NUM_TOKENS, HIDDEN_SIZE), dtype=jnp.float32)
    return {"embedding_weight": embedding_weight}

def reference(embedding_weight):
    # forward(): idx = arange(num_tokens); emb = embedding(idx).unsqueeze(0); encoder is identity ('none')
    idx = jnp.arange(NUM_TOKENS, dtype=jnp.int64)
    emb = jnp.take(embedding_weight, idx, axis=0)
    emb = emb[None, :, :]  # unsqueeze(0) -> [1, num_tokens, hidden]
    return emb

if __name__ == "__main__":
    import jax
    _d = setup_inputs()
    print(jax.jit(kernel)(*tuple(_d.values())))

</pallas_src>

<mosaic_0001>
#map = affine_map<(d0, d1) -> (0, 0)>
#map1 = affine_map<(d0, d1) -> (0, 0, 0)>
module attributes {stable_mosaic.version = 14 : i64} {
  func.func @sc_copy(%arg0: i32, %arg1: i32, %arg2: memref<100000x128xf32, #tpu.memory_space<hbm>>, %arg3: memref<1x100000x128xf32, #tpu.memory_space<hbm>>, %arg4: memref<2x312x128xf32, #tpu.memory_space<vmem>>, %arg5: memref<2x!tpu.dma_semaphore, #tpu.memory_space<semaphore_mem>>, %arg6: memref<2x!tpu.dma_semaphore, #tpu.memory_space<semaphore_mem>>) attributes {dimension_semantics = [#tpu.dimension_semantics<core_parallel>, #tpu.dimension_semantics<subcore_parallel>], iteration_bounds = array<i64: 2, 16>, scalar_prefetch = 0 : i64, scratch_operands = 3 : i64, tpu.core_type = #tpu.core_type<sc_vector_subcore>, window_params = [{transform_indices = #map}, {transform_indices = #map1}]} {
    %mul3A = arith.constant 2 : i32
    %mul3A_0 = arith.muli %arg1, %mul3A : i32
    %add3A = arith.addi %mul3A_0, %arg0 : i32
    %mul3A_1 = arith.constant 3120 : i32
    %mul3A_2 = arith.muli %add3A, %mul3A_1 : i32
    %add3A_3 = arith.constant 0 : i32
    %add3A_4 = arith.addi %mul3A_2, %add3A_3 : i32
    %dma_start3A = arith.constant 0 : i32
    %dma_start3A_5 = arith.constant 0 : i32
    %dma_start3A_6 = arith.constant 0 : i32
    %dma_start3A_7 = arith.constant 0 : i32
    %dma_start3A_8 = tpu.memref_slice %arg4[%dma_start3A, %dma_start3A_6, %dma_start3A_7] : memref<2x312x128xf32, #tpu.memory_space<vmem>> -> memref<1x312x128xf32, #tpu.memory_space<vmem>>
    %dma_start3A_9 = tpu.memref_squeeze %dma_start3A_8 : memref<1x312x128xf32, #tpu.memory_space<vmem>> -> memref<312x128xf32, #tpu.memory_space<vmem>>
    %dma_start3A_10 = arith.constant 0 : i32
    %dma_start3A_11 = tpu.memref_slice %arg2[%add3A_4, %dma_start3A_10] : memref<100000x128xf32, #tpu.memory_space<hbm>> -> memref<312x128xf32, #tpu.memory_space<hbm>>
    %dma_start3A_12 = tpu.memref_slice %arg5[%dma_start3A_5] : memref<2x!tpu.dma_semaphore, #tpu.memory_space<semaphore_mem>> -> memref<1x!tpu.dma_semaphore, #tpu.memory_space<semaphore_mem>>
    %dma_start3A_13 = tpu.memref_squeeze %dma_start3A_12 : memref<1x!tpu.dma_semaphore, #tpu.memory_space<semaphore_mem>> -> memref<!tpu.dma_semaphore, #tpu.memory_space<semaphore_mem>>
    %dma_start3A_14 = arith.constant 0 : i32
    %dma_start3A_15 = arith.constant 0 : i32
    %dma_start3A_16 = tpu.memref_slice %arg4[%dma_start3A, %dma_start3A_14, %dma_start3A_15] : memref<2x312x128xf32, #tpu.memory_space<vmem>> -> memref<1x312x128xf32, #tpu.memory_space<vmem>>
    %dma_start3A_17 = tpu.memref_squeeze %dma_start3A_16 : memref<1x312x128xf32, #tpu.memory_space<vmem>> -> memref<312x128xf32, #tpu.memory_space<vmem>>
    %dma_start3A_18 = arith.constant 0 : i32
    %dma_start3A_19 = tpu.memref_slice %arg2[%add3A_4, %dma_start3A_18] : memref<100000x128xf32, #tpu.memory_space<hbm>> -> memref<312x128xf32, #tpu.memory_space<hbm>>
    tpu.enqueue_dma source(%dma_start3A_19 : memref<312x128xf32, #tpu.memory_space<hbm>>) target(%dma_start3A_17 : memref<312x128xf32, #tpu.memory_space<vmem>>) target_semaphore(%dma_start3A_13 : memref<!tpu.dma_semaphore, #tpu.memory_space<semaphore_mem>>)
    %add3A_20 = arith.constant 312 : i32
    %add3A_21 = arith.addi %mul3A_2, %add3A_20 : i32
    %dma_start3A_22 = arith.constant 1 : i32
    %dma_start3A_23 = arith.constant 1 : i32
    %dma_start3A_24 = arith.constant 0 : i32
    %dma_start3A_25 = arith.constant 0 : i32
    %dma_start3A_26 = tpu.memref_slice %arg4[%dma_start3A_22, %dma_start3A_24, %dma_start3A_25] : memref<2x312x128xf32, #tpu.memory_space<vmem>> -> memref<1x312x128xf32, #tpu.memory_space<vmem>>
    %dma_start3A_27 = tpu.memref_squeeze %dma_start3A_26 : memref<1x312x128xf32, #tpu.memory_space<vmem>> -> memref<312x128xf32, #tpu.memory_space<vmem>>
    %dma_start3A_28 = arith.constant 0 : i32
    %dma_start3A_29 = tpu.memref_slice %arg2[%add3A_21, %dma_start3A_28] : memref<100000x128xf32, #tpu.memory_space<hbm>> -> memref<312x128xf32, #tpu.memory_space<hbm>>
    %dma_start3A_30 = tpu.memref_slice %arg5[%dma_start3A_23] : memref<2x!tpu.dma_semaphore, #tpu.memory_space<semaphore_mem>> -> memref<1x!tpu.dma_semaphore, #tpu.memory_space<semaphore_mem>>
    %dma_start3A_31 = tpu.memref_squeeze %dma_start3A_30 : memref<1x!tpu.dma_semaphore, #tpu.memory_space<semaphore_mem>> -> memref<!tpu.dma_semaphore, #tpu.memory_space<semaphore_mem>>
    %dma_start3A_32 = arith.constant 0 : i32
    %dma_start3A_33 = arith.constant 0 : i32
    %dma_start3A_34 = tpu.memref_slice %arg4[%dma_start3A_22, %dma_start3A_32, %dma_start3A_33] : memref<2x312x128xf32, #tpu.memory_space<vmem>> -> memref<1x312x128xf32, #tpu.memory_space<vmem>>
    %dma_start3A_35 = tpu.memref_squeeze %dma_start3A_34 : memref<1x312x128xf32, #tpu.memory_space<vmem>> -> memref<312x128xf32, #tpu.memory_space<vmem>>
    %dma_start3A_36 = arith.constant 0 : i32
    %dma_start3A_37 = tpu.memref_slice %arg2[%add3A_21, %dma_start3A_36] : memref<100000x128xf32, #tpu.memory_space<hbm>> -> memref<312x128xf32, #tpu.memory_space<hbm>>
    tpu.enqueue_dma source(%dma_start3A_37 : memref<312x128xf32, #tpu.memory_space<hbm>>) target(%dma_start3A_35 : memref<312x128xf32, #tpu.memory_space<vmem>>) target_semaphore(%dma_start3A_31 : memref<!tpu.dma_semaphore, #tpu.memory_space<semaphore_mem>>)
    %dma_wait3A = arith.constant 0 : i32
    %dma_wait3A_38 = arith.constant 0 : i32
    %dma_wait3A_39 = arith.constant 0 : i32
    %dma_wait3A_40 = arith.constant 0 : i32
    %dma_wait3A_41 = tpu.memref_slice %arg4[%dma_wait3A, %dma_wait3A_39, %dma_wait3A_40] : memref<2x312x128xf32, #tpu.memory_space<vmem>> -> memref<1x312x128xf32, #tpu.memory_space<vmem>>
    %dma_wait3A_42 = tpu.memref_squeeze %dma_wait3A_41 : memref<1x312x128xf32, #tpu.memory_space<vmem>> -> memref<312x128xf32, #tpu.memory_space<vmem>>
    %dma_wait3A_43 = arith.constant 0 : i32
    %dma_wait3A_44 = tpu.memref_slice %arg2[%add3A_4, %dma_wait3A_43] : memref<100000x128xf32, #tpu.memory_space<hbm>> -> memref<312x128xf32, #tpu.memory_space<hbm>>
    %dma_wait3A_45 = tpu.memref_slice %arg5[%dma_wait3A_38] : memref<2x!tpu.dma_semaphore, #tpu.memory_space<semaphore_mem>> -> memref<1x!tpu.dma_semaphore, #tpu.memory_space<semaphore_mem>>
    %dma_wait3A_46 = tpu.memref_squeeze %dma_wait3A_45 : memref<1x!tpu.dma_semaphore, #tpu.memory_space<semaphore_mem>> -> memref<!tpu.dma_semaphore, #tpu.memory_space<semaphore_mem>>
    %dma_wait3A_47 = arith.constant 0 : i32
    %dma_wait3A_48 = arith.constant 0 : i32
    %dma_wait3A_49 = tpu.memref_slice %arg4[%dma_wait3A, %dma_wait3A_47, %dma_wait3A_48] : memref<2x312x128xf32, #tpu.memory_space<vmem>> -> memref<1x312x128xf32, #tpu.memory_space<vmem>>
    %dma_wait3A_50 = tpu.memref_squeeze %dma_wait3A_49 : memref<1x312x128xf32, #tpu.memory_space<vmem>> -> memref<312x128xf32, #tpu.memory_space<vmem>>
    %dma_wait3A_51 = arith.constant 0 : i32
    %dma_wait3A_52 = tpu.memref_slice %arg2[%add3A_4, %dma_wait3A_51] : memref<100000x128xf32, #tpu.memory_space<hbm>> -> memref<312x128xf32, #tpu.memory_space<hbm>>
    tpu.wait_dma2 semaphore(%dma_wait3A_46 : memref<!tpu.dma_semaphore, #tpu.memory_space<semaphore_mem>>) src(%dma_wait3A_52 : memref<312x128xf32, #tpu.memory_space<hbm>>) dst(%dma_wait3A_50 : memref<312x128xf32, #tpu.memory_space<vmem>>)
    %add3A_53 = arith.constant 0 : i32
    %add3A_54 = arith.addi %mul3A_2, %add3A_53 : i32
    %dma_start3A_55 = arith.constant 0 : i32
    %dma_start3A_56 = arith.constant 0 : i32
    %dma_start3A_57 = arith.constant 0 : i32
    %dma_start3A_58 = arith.constant 0 : i32
    %dma_start3A_59 = arith.constant 0 : i32
    %dma_start3A_60 = tpu.memref_slice %arg4[%dma_start3A_55, %dma_start3A_58, %dma_start3A_59] : memref<2x312x128xf32, #tpu.memory_space<vmem>> -> memref<1x312x128xf32, #tpu.memory_space<vmem>>
    %dma_start3A_61 = tpu.memref_squeeze %dma_start3A_60 : memref<1x312x128xf32, #tpu.memory_space<vmem>> -> memref<312x128xf32, #tpu.memory_space<vmem>>
    %dma_start3A_62 = arith.constant 0 : i32
    %dma_start3A_63 = tpu.memref_slice %arg3[%dma_start3A_56, %add3A_54, %dma_start3A_62] : memref<1x100000x128xf32, #tpu.memory_space<hbm>> -> memref<1x312x128xf32, #tpu.memory_space<hbm>>
    %dma_start3A_64 = tpu.memref_squeeze %dma_start3A_63 : memref<1x312x128xf32, #tpu.memory_space<hbm>> -> memref<312x128xf32, #tpu.memory_space<hbm>>
    %dma_start3A_65 = tpu.memref_slice %arg6[%dma_start3A_57] : memref<2x!tpu.dma_semaphore, #tpu.memory_space<semaphore_mem>> -> memref<1x!tpu.dma_semaphore, #tpu.memory_space<semaphore_mem>>
    %dma_start3A_66 = tpu.memref_squeeze %dma_start3A_65 : memref<1x!tpu.dma_semaphore, #tpu.memory_space<semaphore_mem>> -> memref<!tpu.dma_semaphore, #tpu.memory_space<semaphore_mem>>
    %dma_start3A_67 = arith.constant 0 : i32
    %dma_start3A_68 = tpu.memref_slice %arg3[%dma_start3A_56, %add3A_54, %dma_start3A_67] : memref<1x100000x128xf32, #tpu.memory_space<hbm>> -> memref<1x312x128xf32, #tpu.memory_space<hbm>>
    %dma_start3A_69 = tpu.memref_squeeze %dma_start3A_68 : memref<1x312x128xf32, #tpu.memory_space<hbm>> -> memref<312x128xf32, #tpu.memory_space<hbm>>
    %dma_start3A_70 = arith.constant 0 : i32
    %dma_start3A_71 = arith.constant 0 : i32
    %dma_start3A_72 = tpu.memref_slice %arg4[%dma_start3A_55, %dma_start3A_70, %dma_start3A_71] : memref<2x312x128xf32, #tpu.memory_space<vmem>> -> memref<1x312x128xf32, #tpu.memory_space<vmem>>
    %dma_start3A_73 = tpu.memref_squeeze %dma_start3A_72 : memref<1x312x128xf32, #tpu.memory_space<vmem>> -> memref<312x128xf32, #tpu.memory_space<vmem>>
    tpu.enqueue_dma source(%dma_start3A_73 : memref<312x128xf32, #tpu.memory_space<vmem>>) target(%dma_start3A_69 : memref<312x128xf32, #tpu.memory_space<hbm>>) target_semaphore(%dma_start3A_66 : memref<!tpu.dma_semaphore, #tpu.memory_space<semaphore_mem>>)
    %dma_wait3A_74 = arith.constant 0 : i32
    %dma_wait3A_75 = arith.constant 0 : i32
    %dma_wait3A_76 = arith.constant 0 : i32
    %dma_wait3A_77 = arith.constant 0 : i32
    %dma_wait3A_78 = arith.constant 0 : i32
    %dma_wait3A_79 = tpu.memref_slice %arg4[%dma_wait3A_74, %dma_wait3A_77, %dma_wait3A_78] : memref<2x312x128xf32, #tpu.memory_space<vmem>> -> memref<1x312x128xf32, #tpu.memory_space<vmem>>
    %dma_wait3A_80 = tpu.memref_squeeze %dma_wait3A_79 : memref<1x312x128xf32, #tpu.memory_space<vmem>> -> memref<312x128xf32, #tpu.memory_space<vmem>>
    %dma_wait3A_81 = arith.constant 0 : i32
    %dma_wait3A_82 = tpu.memref_slice %arg3[%dma_wait3A_75, %add3A_54, %dma_wait3A_81] : memref<1x100000x128xf32, #tpu.memory_space<hbm>> -> memref<1x312x128xf32, #tpu.memory_space<hbm>>
    %dma_wait3A_83 = tpu.memref_squeeze %dma_wait3A_82 : memref<1x312x128xf32, #tpu.memory_space<hbm>> -> memref<312x128xf32, #tpu.memory_space<hbm>>
    %dma_wait3A_84 = tpu.memref_slice %arg6[%dma_wait3A_76] : memref<2x!tpu.dma_semaphore, #tpu.memory_space<semaphore_mem>> -> memref<1x!tpu.dma_semaphore, #tpu.memory_space<semaphore_mem>>
    %dma_wait3A_85 = tpu.memref_squeeze %dma_wait3A_84 : memref<1x!tpu.dma_semaphore, #tpu.memory_space<semaphore_mem>> -> memref<!tpu.dma_semaphore, #tpu.memory_space<semaphore_mem>>
    %dma_wait3A_86 = arith.constant 0 : i32
    %dma_wait3A_87 = tpu.memref_slice %arg3[%dma_wait3A_75, %add3A_54, %dma_wait3A_86] : memref<1x100000x128xf32, #tpu.memory_space<hbm>> -> memref<1x312x128xf32, #tpu.memory_space<hbm>>
    %dma_wait3A_88 = tpu.memref_squeeze %dma_wait3A_87 : memref<1x312x128xf32, #tpu.memory_space<hbm>> -> memref<312x128xf32, #tpu.memory_space<hbm>>
    %dma_wait3A_89 = arith.constant 0 : i32
    %dma_wait3A_90 = arith.constant 0 : i32
    %dma_wait3A_91 = tpu.memref_slice %arg4[%dma_wait3A_74, %dma_wait3A_89, %dma_wait3A_90] : memref<2x312x128xf32, #tpu.memory_space<vmem>> -> memref<1x312x128xf32, #tpu.memory_space<vmem>>
    %dma_wait3A_92 = tpu.memref_squeeze %dma_wait3A_91 : memref<1x312x128xf32, #tpu.memory_space<vmem>> -> memref<312x128xf32, #tpu.memory_space<vmem>>
    tpu.wait_dma2 semaphore(%dma_wait3A_85 : memref<!tpu.dma_semaphore, #tpu.memory_space<semaphore_mem>>) src(%dma_wait3A_92 : memref<312x128xf32, #tpu.memory_space<vmem>>) dst(%dma_wait3A_88 : memref<312x128xf32, #tpu.memory_space<hbm>>)
    %add3A_93 = arith.constant 624 : i32
    %add3A_94 = arith.addi %mul3A_2, %add3A_93 : i32
    %dma_start3A_95 = arith.constant 0 : i32
    %dma_start3A_96 = arith.constant 0 : i32
    %dma_start3A_97 = arith.constant 0 : i32
    %dma_start3A_98 = arith.constant 0 : i32
    %dma_start3A_99 = tpu.memref_slice %arg4[%dma_start3A_95, %dma_start3A_97, %dma_start3A_98] : memref<2x312x128xf32, #tpu.memory_space<vmem>> -> memref<1x312x128xf32, #tpu.memory_space<vmem>>
    %dma_start3A_100 = tpu.memref_squeeze %dma_start3A_99 : memref<1x312x128xf32, #tpu.memory_space<vmem>> -> memref<312x128xf32, #tpu.memory_space<vmem>>
    %dma_start3A_101 = arith.constant 0 : i32
    %dma_start3A_102 = tpu.memref_slice %arg2[%add3A_94, %dma_start3A_101] : memref<100000x128xf32, #tpu.memory_space<hbm>> -> memref<312x128xf32, #tpu.memory_space<hbm>>
    %dma_start3A_103 = tpu.memref_slice %arg5[%dma_start3A_96] : memref<2x!tpu.dma_semaphore, #tpu.memory_space<semaphore_mem>> -> memref<1x!tpu.dma_semaphore, #tpu.memory_space<semaphore_mem>>
    %dma_start3A_104 = tpu.memref_squeeze %dma_start3A_103 : memref<1x!tpu.dma_semaphore, #tpu.memory_space<semaphore_mem>> -> memref<!tpu.dma_semaphore, #tpu.memory_space<semaphore_mem>>
    %dma_start3A_105 = arith.constant 0 : i32
    %dma_start3A_106 = arith.constant 0 : i32
    %dma_start3A_107 = tpu.memref_slice %arg4[%dma_start3A_95, %dma_start3A_105, %dma_start3A_106] : memref<2x312x128xf32, #tpu.memory_space<vmem>> -> memref<1x312x128xf32, #tpu.memory_space<vmem>>
    %dma_start3A_108 = tpu.memref_squeeze %dma_start3A_107 : memref<1x312x128xf32, #tpu.memory_space<vmem>> -> memref<312x128xf32, #tpu.memory_space<vmem>>
    %dma_start3A_109 = arith.constant 0 : i32
    %dma_start3A_110 = tpu.memref_slice %arg2[%add3A_94, %dma_start3A_109] : memref<100000x128xf32, #tpu.memory_space<hbm>> -> memref<312x128xf32, #tpu.memory_space<hbm>>
    tpu.enqueue_dma source(%dma_start3A_110 : memref<312x128xf32, #tpu.memory_space<hbm>>) target(%dma_start3A_108 : memref<312x128xf32, #tpu.memory_space<vmem>>) target_semaphore(%dma_start3A_104 : memref<!tpu.dma_semaphore, #tpu.memory_space<semaphore_mem>>)
    %dma_wait3A_111 = arith.constant 1 : i32
    %dma_wait3A_112 = arith.constant 1 : i32
    %dma_wait3A_113 = arith.constant 0 : i32
    %dma_wait3A_114 = arith.constant 0 : i32
    %dma_wait3A_115 = tpu.memref_slice %arg4[%dma_wait3A_111, %dma_wait3A_113, %dma_wait3A_114] : memref<2x312x128xf32, #tpu.memory_space<vmem>> -> memref<1x312x128xf32, #tpu.memory_space<vmem>>
    %dma_wait3A_116 = tpu.memref_squeeze %dma_wait3A_115 : memref<1x312x128xf32, #tpu.memory_space<vmem>> -> memref<312x128xf32, #tpu.memory_space<vmem>>
    %dma_wait3A_117 = arith.constant 0 : i32
    %dma_wait3A_118 = tpu.memref_slice %arg2[%add3A_21, %dma_wait3A_117] : memref<100000x128xf32, #tpu.memory_space<hbm>> -> memref<312x128xf32, #tpu.memory_space<hbm>>
    %dma_wait3A_119 = tpu.memref_slice %arg5[%dma_wait3A_112] : memref<2x!tpu.dma_semaphore, #tpu.memory_space<semaphore_mem>> -> memref<1x!tpu.dma_semaphore, #tpu.memory_space<semaphore_mem>>
    %dma_wait3A_120 = tpu.memref_squeeze %dma_wait3A_119 : memref<1x!tpu.dma_semaphore, #tpu.memory_space<semaphore_mem>> -> memref<!tpu.dma_semaphore, #tpu.memory_space<semaphore_mem>>
    %dma_wait3A_121 = arith.constant 0 : i32
    %dma_wait3A_122 = arith.constant 0 : i32
    %dma_wait3A_123 = tpu.memref_slice %arg4[%dma_wait3A_111, %dma_wait3A_121, %dma_wait3A_122] : memref<2x312x128xf32, #tpu.memory_space<vmem>> -> memref<1x312x128xf32, #tpu.memory_space<vmem>>
    %dma_wait3A_124 = tpu.memref_squeeze %dma_wait3A_123 : memref<1x312x128xf32, #tpu.memory_space<vmem>> -> memref<312x128xf32, #tpu.memory_space<vmem>>
    %dma_wait3A_125 = arith.constant 0 : i32
    %dma_wait3A_126 = tpu.memref_slice %arg2[%add3A_21, %dma_wait3A_125] : memref<100000x128xf32, #tpu.memory_space<hbm>> -> memref<312x128xf32, #tpu.memory_space<hbm>>
    tpu.wait_dma2 semaphore(%dma_wait3A_120 : memref<!tpu.dma_semaphore, #tpu.memory_space<semaphore_mem>>) src(%dma_wait3A_126 : memref<312x128xf32, #tpu.memory_space<hbm>>) dst(%dma_wait3A_124 : memref<312x128xf32, #tpu.memory_space<vmem>>)
    %add3A_127 = arith.constant 312 : i32
    %add3A_128 = arith.addi %mul3A_2, %add3A_127 : i32
    %dma_start3A_129 = arith.constant 1 : i32
    %dma_start3A_130 = arith.constant 0 : i32
    %dma_start3A_131 = arith.constant 1 : i32
    %dma_start3A_132 = arith.constant 0 : i32
    %dma_start3A_133 = arith.constant 0 : i32
    %dma_start3A_134 = tpu.memref_slice %arg4[%dma_start3A_129, %dma_start3A_132, %dma_start3A_133] : memref<2x312x128xf32, #tpu.memory_space<vmem>> -> memref<1x312x128xf32, #tpu.memory_space<vmem>>
    %dma_start3A_135 = tpu.memref_squeeze %dma_start3A_134 : memref<1x312x128xf32, #tpu.memory_space<vmem>> -> memref<312x128xf32, #tpu.memory_space<vmem>>
    %dma_start3A_136 = arith.constant 0 : i32
    %dma_start3A_137 = tpu.memref_slice %arg3[%dma_start3A_130, %add3A_128, %dma_start3A_136] : memref<1x100000x128xf32, #tpu.memory_space<hbm>> -> memref<1x312x128xf32, #tpu.memory_space<hbm>>
    %dma_start3A_138 = tpu.memref_squeeze %dma_start3A_137 : memref<1x312x128xf32, #tpu.memory_space<hbm>> -> memref<312x128xf32, #tpu.memory_space<hbm>>
    %dma_start3A_139 = tpu.memref_slice %arg6[%dma_start3A_131] : memref<2x!tpu.dma_semaphore, #tpu.memory_space<semaphore_mem>> -> memref<1x!tpu.dma_semaphore, #tpu.memory_space<semaphore_mem>>
    %dma_start3A_140 = tpu.memref_squeeze %dma_start3A_139 : memref<1x!tpu.dma_semaphore, #tpu.memory_space<semaphore_mem>> -> memref<!tpu.dma_semaphore, #tpu.memory_space<semaphore_mem>>
    %dma_start3A_141 = arith.constant 0 : i32
    %dma_start3A_142 = tpu.memref_slice %arg3[%dma_start3A_130, %add3A_128, %dma_start3A_141] : memref<1x100000x128xf32, #tpu.memory_space<hbm>> -> memref<1x312x128xf32, #tpu.memory_space<hbm>>
    %dma_start3A_143 = tpu.memref_squeeze %dma_start3A_142 : memref<1x312x128xf32, #tpu.memory_space<hbm>> -> memref<312x128xf32, #tpu.memory_space<hbm>>
    %dma_start3A_144 = arith.constant 0 : i32
    %dma_start3A_145 = arith.constant 0 : i32
    %dma_start3A_146 = tpu.memref_slice %arg4[%dma_start3A_129, %dma_start3A_144, %dma_start3A_145] : memref<2x312x128xf32, #tpu.memory_space<vmem>> -> memref<1x312x128xf32, #tpu.memory_space<vmem>>
    %dma_start3A_147 = tpu.memref_squeeze %dma_start3A_146 : memref<1x312x128xf32, #tpu.memory_space<vmem>> -> memref<312x128xf32, #tpu.memory_space<vmem>>
    tpu.enqueue_dma source(%dma_start3A_147 : memref<312x128xf32, #tpu.memory_space<vmem>>) target(%dma_start3A_143 : memref<312x128xf32, #tpu.memory_space<hbm>>) target_semaphore(%dma_start3A_140 : memref<!tpu.dma_semaphore, #tpu.memory_space<semaphore_mem>>)
    %dma_wait3A_148 = arith.constant 1 : i32
    %dma_wait3A_149 = arith.constant 0 : i32
    %dma_wait3A_150 = arith.constant 1 : i32
    %dma_wait3A_151 = arith.constant 0 : i32
    %dma_wait3A_152 = arith.constant 0 : i32
    %dma_wait3A_153 = tpu.memref_slice %arg4[%dma_wait3A_148, %dma_wait3A_151, %dma_wait3A_152] : memref<2x312x128xf32, #tpu.memory_space<vmem>> -> memref<1x312x128xf32, #tpu.memory_space<vmem>>
    %dma_wait3A_154 = tpu.memref_squeeze %dma_wait3A_153 : memref<1x312x128xf32, #tpu.memory_space<vmem>> -> memref<312x128xf32, #tpu.memory_space<vmem>>
    %dma_wait3A_155 = arith.constant 0 : i32
    %dma_wait3A_156 = tpu.memref_slice %arg3[%dma_wait3A_149, %add3A_128, %dma_wait3A_155] : memref<1x100000x128xf32, #tpu.memory_space<hbm>> -> memref<1x312x128xf32, #tpu.memory_space<hbm>>
    %dma_wait3A_157 = tpu.memref_squeeze %dma_wait3A_156 : memref<1x312x128xf32, #tpu.memory_space<hbm>> -> memref<312x128xf32, #tpu.memory_space<hbm>>
    %dma_wait3A_158 = tpu.memref_slice %arg6[%dma_wait3A_150] : memref<2x!tpu.dma_semaphore, #tpu.memory_space<semaphore_mem>> -> memref<1x!tpu.dma_semaphore, #tpu.memory_space<semaphore_mem>>
    %dma_wait3A_159 = tpu.memref_squeeze %dma_wait3A_158 : memref<1x!tpu.dma_semaphore, #tpu.memory_space<semaphore_mem>> -> memref<!tpu.dma_semaphore, #tpu.memory_space<semaphore_mem>>
    %dma_wait3A_160 = arith.constant 0 : i32
    %dma_wait3A_161 = tpu.memref_slice %arg3[%dma_wait3A_149, %add3A_128, %dma_wait3A_160] : memref<1x100000x128xf32, #tpu.memory_space<hbm>> -> memref<1x312x128xf32, #tpu.memory_space<hbm>>
    %dma_wait3A_162 = tpu.memref_squeeze %dma_wait3A_161 : memref<1x312x128xf32, #tpu.memory_space<hbm>> -> memref<312x128xf32, #tpu.memory_space<hbm>>
    %dma_wait3A_163 = arith.constant 0 : i32
    %dma_wait3A_164 = arith.constant 0 : i32
    %dma_wait3A_165 = tpu.memref_slice %arg4[%dma_wait3A_148, %dma_wait3A_163, %dma_wait3A_164] : memref<2x312x128xf32, #tpu.memory_space<vmem>> -> memref<1x312x128xf32, #tpu.memory_space<vmem>>
    %dma_wait3A_166 = tpu.memref_squeeze %dma_wait3A_165 : memref<1x312x128xf32, #tpu.memory_space<vmem>> -> memref<312x128xf32, #tpu.memory_space<vmem>>
    tpu.wait_dma2 semaphore(%dma_wait3A_159 : memref<!tpu.dma_semaphore, #tpu.memory_space<semaphore_mem>>) src(%dma_wait3A_166 : memref<312x128xf32, #tpu.memory_space<vmem>>) dst(%dma_wait3A_162 : memref<312x128xf32, #tpu.memory_space<hbm>>)
    %add3A_167 = arith.constant 936 : i32
    %add3A_168 = arith.addi %mul3A_2, %add3A_167 : i32
    %dma_start3A_169 = arith.constant 1 : i32
    %dma_start3A_170 = arith.constant 1 : i32
    %dma_start3A_171 = arith.constant 0 : i32
    %dma_start3A_172 = arith.constant 0 : i32
    %dma_start3A_173 = tpu.memref_slice %arg4[%dma_start3A_169, %dma_start3A_171, %dma_start3A_172] : memref<2x312x128xf32, #tpu.memory_space<vmem>> -> memref<1x312x128xf32, #tpu.memory_space<vmem>>
    %dma_start3A_174 = tpu.memref_squeeze %dma_start3A_173 : memref<1x312x128xf32, #tpu.memory_space<vmem>> -> memref<312x128xf32, #tpu.memory_space<vmem>>
    %dma_start3A_175 = arith.constant 0 : i32
    %dma_start3A_176 = tpu.memref_slice %arg2[%add3A_168, %dma_start3A_175] : memref<100000x128xf32, #tpu.memory_space<hbm>> -> memref<312x128xf32, #tpu.memory_space<hbm>>
    %dma_start3A_177 = tpu.memref_slice %arg5[%dma_start3A_170] : memref<2x!tpu.dma_semaphore, #tpu.memory_space<semaphore_mem>> -> memref<1x!tpu.dma_semaphore, #tpu.memory_space<semaphore_mem>>
    %dma_start3A_178 = tpu.memref_squeeze %dma_start3A_177 : memref<1x!tpu.dma_semaphore, #tpu.memory_space<semaphore_mem>> -> memref<!tpu.dma_semaphore, #tpu.memory_space<semaphore_mem>>
    %dma_start3A_179 = arith.constant 0 : i32
    %dma_start3A_180 = arith.constant 0 : i32
    %dma_start3A_181 = tpu.memref_slice %arg4[%dma_start3A_169, %dma_start3A_179, %dma_start3A_180] : memref<2x312x128xf32, #tpu.memory_space<vmem>> -> memref<1x312x128xf32, #tpu.memory_space<vmem>>
    %dma_start3A_182 = tpu.memref_squeeze %dma_start3A_181 : memref<1x312x128xf32, #tpu.memory_space<vmem>> -> memref<312x128xf32, #tpu.memory_space<vmem>>
    %dma_start3A_183 = arith.constant 0 : i32
    %dma_start3A_184 = tpu.memref_slice %arg2[%add3A_168, %dma_start3A_183] : memref<100000x128xf32, #tpu.memory_space<hbm>> -> memref<312x128xf32, #tpu.memory_space<hbm>>
    tpu.enqueue_dma source(%dma_start3A_184 : memref<312x128xf32, #tpu.memory_space<hbm>>) target(%dma_start3A_182 : memref<312x128xf32, #tpu.memory_space<vmem>>) target_semaphore(%dma_start3A_178 : memref<!tpu.dma_semaphore, #tpu.memory_space<semaphore_mem>>)
    %dma_wait3A_185 = arith.constant 0 : i32
    %dma_wait3A_186 = arith.constant 0 : i32
    %dma_wait3A_187 = arith.constant 0 : i32
    %dma_wait3A_188 = arith.constant 0 : i32
    %dma_wait3A_189 = tpu.memref_slice %arg4[%dma_wait3A_185, %dma_wait3A_187, %dma_wait3A_188] : memref<2x312x128xf32, #tpu.memory_space<vmem>> -> memref<1x312x128xf32, #tpu.memory_space<vmem>>
    %dma_wait3A_190 = tpu.memref_squeeze %dma_wait3A_189 : memref<1x312x128xf32, #tpu.memory_space<vmem>> -> memref<312x128xf32, #tpu.memory_space<vmem>>
    %dma_wait3A_191 = arith.constant 0 : i32
    %dma_wait3A_192 = tpu.memref_slice %arg2[%add3A_94, %dma_wait3A_191] : memref<100000x128xf32, #tpu.memory_space<hbm>> -> memref<312x128xf32, #tpu.memory_space<hbm>>
    %dma_wait3A_193 = tpu.memref_slice %arg5[%dma_wait3A_186] : memref<2x!tpu.dma_semaphore, #tpu.memory_space<semaphore_mem>> -> memref<1x!tpu.dma_semaphore, #tpu.memory_space<semaphore_mem>>
    %dma_wait3A_194 = tpu.memref_squeeze %dma_wait3A_193 : memref<1x!tpu.dma_semaphore, #tpu.memory_space<semaphore_mem>> -> memref<!tpu.dma_semaphore, #tpu.memory_space<semaphore_mem>>
    %dma_wait3A_195 = arith.constant 0 : i32
    %dma_wait3A_196 = arith.constant 0 : i32
    %dma_wait3A_197 = tpu.memref_slice %arg4[%dma_wait3A_185, %dma_wait3A_195, %dma_wait3A_196] : memref<2x312x128xf32, #tpu.memory_space<vmem>> -> memref<1x312x128xf32, #tpu.memory_space<vmem>>
    %dma_wait3A_198 = tpu.memref_squeeze %dma_wait3A_197 : memref<1x312x128xf32, #tpu.memory_space<vmem>> -> memref<312x128xf32, #tpu.memory_space<vmem>>
    %dma_wait3A_199 = arith.constant 0 : i32
    %dma_wait3A_200 = tpu.memref_slice %arg2[%add3A_94, %dma_wait3A_199] : memref<100000x128xf32, #tpu.memory_space<hbm>> -> memref<312x128xf32, #tpu.memory_space<hbm>>
    tpu.wait_dma2 semaphore(%dma_wait3A_194 : memref<!tpu.dma_semaphore, #tpu.memory_space<semaphore_mem>>) src(%dma_wait3A_200 : memref<312x128xf32, #tpu.memory_space<hbm>>) dst(%dma_wait3A_198 : memref<312x128xf32, #tpu.memory_space<vmem>>)
    %add3A_201 = arith.constant 624 : i32
    %add3A_202 = arith.addi %mul3A_2, %add3A_201 : i32
    %dma_start3A_203 = arith.constant 0 : i32
    %dma_start3A_204 = arith.constant 0 : i32
    %dma_start3A_205 = arith.constant 0 : i32
    %dma_start3A_206 = arith.constant 0 : i32
    %dma_start3A_207 = arith.constant 0 : i32
    %dma_start3A_208 = tpu.memref_slice %arg4[%dma_start3A_203, %dma_start3A_206, %dma_start3A_207] : memref<2x312x128xf32, #tpu.memory_space<vmem>> -> memref<1x312x128xf32, #tpu.memory_space<vmem>>
    %dma_start3A_209 = tpu.memref_squeeze %dma_start3A_208 : memref<1x312x128xf32, #tpu.memory_space<vmem>> -> memref<312x128xf32, #tpu.memory_space<vmem>>
    %dma_start3A_210 = arith.constant 0 : i32
    %dma_start3A_211 = tpu.memref_slice %arg3[%dma_start3A_204, %add3A_202, %dma_start3A_210] : memref<1x100000x128xf32, #tpu.memory_space<hbm>> -> memref<1x312x128xf32, #tpu.memory_space<hbm>>
    %dma_start3A_212 = tpu.memref_squeeze %dma_start3A_211 : memref<1x312x128xf32, #tpu.memory_space<hbm>> -> memref<312x128xf32, #tpu.memory_space<hbm>>
    %dma_start3A_213 = tpu.memref_slice %arg6[%dma_start3A_205] : memref<2x!tpu.dma_semaphore, #tpu.memory_space<semaphore_mem>> -> memref<1x!tpu.dma_semaphore, #tpu.memory_space<semaphore_mem>>
    %dma_start3A_214 = tpu.memref_squeeze %dma_start3A_213 : memref<1x!tpu.dma_semaphore, #tpu.memory_space<semaphore_mem>> -> memref<!tpu.dma_semaphore, #tpu.memory_space<semaphore_mem>>
    %dma_start3A_215 = arith.constant 0 : i32
    %dma_start3A_216 = tpu.memref_slice %arg3[%dma_start3A_204, %add3A_202, %dma_start3A_215] : memref<1x100000x128xf32, #tpu.memory_space<hbm>> -> memref<1x312x128xf32, #tpu.memory_space<hbm>>
    %dma_start3A_217 = tpu.memref_squeeze %dma_start3A_216 : memref<1x312x128xf32, #tpu.memory_space<hbm>> -> memref<312x128xf32, #tpu.memory_space<hbm>>
    %dma_start3A_218 = arith.constant 0 : i32
    %dma_start3A_219 = arith.constant 0 : i32
    %dma_start3A_220 = tpu.memref_slice %arg4[%dma_start3A_203, %dma_start3A_218, %dma_start3A_219] : memref<2x312x128xf32, #tpu.memory_space<vmem>> -> memref<1x312x128xf32, #tpu.memory_space<vmem>>
    %dma_start3A_221 = tpu.memref_squeeze %dma_start3A_220 : memref<1x312x128xf32, #tpu.memory_space<vmem>> -> memref<312x128xf32, #tpu.memory_space<vmem>>
    tpu.enqueue_dma source(%dma_start3A_221 : memref<312x128xf32, #tpu.memory_space<vmem>>) target(%dma_start3A_217 : memref<312x128xf32, #tpu.memory_space<hbm>>) target_semaphore(%dma_start3A_214 : memref<!tpu.dma_semaphore, #tpu.memory_space<semaphore_mem>>)
    %dma_wait3A_222 = arith.constant 0 : i32
    %dma_wait3A_223 = arith.constant 0 : i32
    %dma_wait3A_224 = arith.constant 0 : i32
    %dma_wait3A_225 = arith.constant 0 : i32
    %dma_wait3A_226 = arith.constant 0 : i32
    %dma_wait3A_227 = tpu.memref_slice %arg4[%dma_wait3A_222, %dma_wait3A_225, %dma_wait3A_226] : memref<2x312x128xf32, #tpu.memory_space<vmem>> -> memref<1x312x128xf32, #tpu.memory_space<vmem>>
    %dma_wait3A_228 = tpu.memref_squeeze %dma_wait3A_227 : memref<1x312x128xf32, #tpu.memory_space<vmem>> -> memref<312x128xf32, #tpu.memory_space<vmem>>
    %dma_wait3A_229 = arith.constant 0 : i32
    %dma_wait3A_230 = tpu.memref_slice %arg3[%dma_wait3A_223, %add3A_202, %dma_wait3A_229] : memref<1x100000x128xf32, #tpu.memory_space<hbm>> -> memref<1x312x128xf32, #tpu.memory_space<hbm>>
    %dma_wait3A_231 = tpu.memref_squeeze %dma_wait3A_230 : memref<1x312x128xf32, #tpu.memory_space<hbm>> -> memref<312x128xf32, #tpu.memory_space<hbm>>
    %dma_wait3A_232 = tpu.memref_slice %arg6[%dma_wait3A_224] : memref<2x!tpu.dma_semaphore, #tpu.memory_space<semaphore_mem>> -> memref<1x!tpu.dma_semaphore, #tpu.memory_space<semaphore_mem>>
    %dma_wait3A_233 = tpu.memref_squeeze %dma_wait3A_232 : memref<1x!tpu.dma_semaphore, #tpu.memory_space<semaphore_mem>> -> memref<!tpu.dma_semaphore, #tpu.memory_space<semaphore_mem>>
    %dma_wait3A_234 = arith.constant 0 : i32
    %dma_wait3A_235 = tpu.memref_slice %arg3[%dma_wait3A_223, %add3A_202, %dma_wait3A_234] : memref<1x100000x128xf32, #tpu.memory_space<hbm>> -> memref<1x312x128xf32, #tpu.memory_space<hbm>>
    %dma_wait3A_236 = tpu.memref_squeeze %dma_wait3A_235 : memref<1x312x128xf32, #tpu.memory_space<hbm>> -> memref<312x128xf32, #tpu.memory_space<hbm>>
    %dma_wait3A_237 = arith.constant 0 : i32
    %dma_wait3A_238 = arith.constant 0 : i32
    %dma_wait3A_239 = tpu.memref_slice %arg4[%dma_wait3A_222, %dma_wait3A_237, %dma_wait3A_238] : memref<2x312x128xf32, #tpu.memory_space<vmem>> -> memref<1x312x128xf32, #tpu.memory_space<vmem>>
    %dma_wait3A_240 = tpu.memref_squeeze %dma_wait3A_239 : memref<1x312x128xf32, #tpu.memory_space<vmem>> -> memref<312x128xf32, #tpu.memory_space<vmem>>
    tpu.wait_dma2 semaphore(%dma_wait3A_233 : memref<!tpu.dma_semaphore, #tpu.memory_space<semaphore_mem>>) src(%dma_wait3A_240 : memref<312x128xf32, #tpu.memory_space<vmem>>) dst(%dma_wait3A_236 : memref<312x128xf32, #tpu.memory_space<hbm>>)
    %add3A_241 = arith.constant 1248 : i32
    %add3A_242 = arith.addi %mul3A_2, %add3A_241 : i32
    %dma_start3A_243 = arith.constant 0 : i32
    %dma_start3A_244 = arith.constant 0 : i32
    %dma_start3A_245 = arith.constant 0 : i32
    %dma_start3A_246 = arith.constant 0 : i32
    %dma_start3A_247 = tpu.memref_slice %arg4[%dma_start3A_243, %dma_start3A_245, %dma_start3A_246] : memref<2x312x128xf32, #tpu.memory_space<vmem>> -> memref<1x312x128xf32, #tpu.memory_space<vmem>>
    %dma_start3A_248 = tpu.memref_squeeze %dma_start3A_247 : memref<1x312x128xf32, #tpu.memory_space<vmem>> -> memref<312x128xf32, #tpu.memory_space<vmem>>
    %dma_start3A_249 = arith.constant 0 : i32
    %dma_start3A_250 = tpu.memref_slice %arg2[%add3A_242, %dma_start3A_249] : memref<100000x128xf32, #tpu.memory_space<hbm>> -> memref<312x128xf32, #tpu.memory_space<hbm>>
    %dma_start3A_251 = tpu.memref_slice %arg5[%dma_start3A_244] : memref<2x!tpu.dma_semaphore, #tpu.memory_space<semaphore_mem>> -> memref<1x!tpu.dma_semaphore, #tpu.memory_space<semaphore_mem>>
    %dma_start3A_252 = tpu.memref_squeeze %dma_start3A_251 : memref<1x!tpu.dma_semaphore, #tpu.memory_space<semaphore_mem>> -> memref<!tpu.dma_semaphore, #tpu.memory_space<semaphore_mem>>
    %dma_start3A_253 = arith.constant 0 : i32
    %dma_start3A_254 = arith.constant 0 : i32
    %dma_start3A_255 = tpu.memref_slice %arg4[%dma_start3A_243, %dma_start3A_253, %dma_start3A_254] : memref<2x312x128xf32, #tpu.memory_space<vmem>> -> memref<1x312x128xf32, #tpu.memory_space<vmem>>
    %dma_start3A_256 = tpu.memref_squeeze %dma_start3A_255 : memref<1x312x128xf32, #tpu.memory_space<vmem>> -> memref<312x128xf32, #tpu.memory_space<vmem>>
    %dma_start3A_257 = arith.constant 0 : i32
    %dma_start3A_258 = tpu.memref_slice %arg2[%add3A_242, %dma_start3A_257] : memref<100000x128xf32, #tpu.memory_space<hbm>> -> memref<312x128xf32, #tpu.memory_space<hbm>>
    tpu.enqueue_dma source(%dma_start3A_258 : memref<312x128xf32, #tpu.memory_space<hbm>>) target(%dma_start3A_256 : memref<312x128xf32, #tpu.memory_space<vmem>>) target_semaphore(%dma_start3A_252 : memref<!tpu.dma_semaphore, #tpu.memory_space<semaphore_mem>>)
    %dma_wait3A_259 = arith.constant 1 : i32
    %dma_wait3A_260 = arith.constant 1 : i32
    %dma_wait3A_261 = arith.constant 0 : i32
    %dma_wait3A_262 = arith.constant 0 : i32
    %dma_wait3A_263 = tpu.memref_slice %arg4[%dma_wait3A_259, %dma_wait3A_261, %dma_wait3A_262] : memref<2x312x128xf32, #tpu.memory_space<vmem>> -> memref<1x312x128xf32, #tpu.memory_space<vmem>>
    %dma_wait3A_264 = tpu.memref_squeeze %dma_wait3A_263 : memref<1x312x128xf32, #tpu.memory_space<vmem>> -> memref<312x128xf32, #tpu.memory_space<vmem>>
    %dma_wait3A_265 = arith.constant 0 : i32
    %dma_wait3A_266 = tpu.memref_slice %arg2[%add3A_168, %dma_wait3A_265] : memref<100000x128xf32, #tpu.memory_space<hbm>> -> memref<312x128xf32, #tpu.memory_space<hbm>>
    %dma_wait3A_267 = tpu.memref_slice %arg5[%dma_wait3A_260] : memref<2x!tpu.dma_semaphore, #tpu.memory_space<semaphore_mem>> -> memref<1x!tpu.dma_semaphore, #tpu.memory_space<semaphore_mem>>
    %dma_wait3A_268 = tpu.memref_squeeze %dma_wait3A_267 : memref<1x!tpu.dma_semaphore, #tpu.memory_space<semaphore_mem>> -> memref<!tpu.dma_semaphore, #tpu.memory_space<semaphore_mem>>
    %dma_wait3A_269 = arith.constant 0 : i32
    %dma_wait3A_270 = arith.constant 0 : i32
    %dma_wait3A_271 = tpu.memref_slice %arg4[%dma_wait3A_259, %dma_wait3A_269, %dma_wait3A_270] : memref<2x312x128xf32, #tpu.memory_space<vmem>> -> memref<1x312x128xf32, #tpu.memory_space<vmem>>
    %dma_wait3A_272 = tpu.memref_squeeze %dma_wait3A_271 : memref<1x312x128xf32, #tpu.memory_space<vmem>> -> memref<312x128xf32, #tpu.memory_space<vmem>>
    %dma_wait3A_273 = arith.constant 0 : i32
    %dma_wait3A_274 = tpu.memref_slice %arg2[%add3A_168, %dma_wait3A_273] : memref<100000x128xf32, #tpu.memory_space<hbm>> -> memref<312x128xf32, #tpu.memory_space<hbm>>
    tpu.wait_dma2 semaphore(%dma_wait3A_268 : memref<!tpu.dma_semaphore, #tpu.memory_space<semaphore_mem>>) src(%dma_wait3A_274 : memref<312x128xf32, #tpu.memory_space<hbm>>) dst(%dma_wait3A_272 : memref<312x128xf32, #tpu.memory_space<vmem>>)
    %add3A_275 = arith.constant 936 : i32
    %add3A_276 = arith.addi %mul3A_2, %add3A_275 : i32
    %dma_start3A_277 = arith.constant 1 : i32
    %dma_start3A_278 = arith.constant 0 : i32
    %dma_start3A_279 = arith.constant 1 : i32
    %dma_start3A_280 = arith.constant 0 : i32
    %dma_start3A_281 = arith.constant 0 : i32
    %dma_start3A_282 = tpu.memref_slice %arg4[%dma_start3A_277, %dma_start3A_280, %dma_start3A_281] : memref<2x312x128xf32, #tpu.memory_space<vmem>> -> memref<1x312x128xf32, #tpu.memory_space<vmem>>
    %dma_start3A_283 = tpu.memref_squeeze %dma_start3A_282 : memref<1x312x128xf32, #tpu.memory_space<vmem>> -> memref<312x128xf32, #tpu.memory_space<vmem>>
    %dma_start3A_284 = arith.constant 0 : i32
    %dma_start3A_285 = tpu.memref_slice %arg3[%dma_start3A_278, %add3A_276, %dma_start3A_284] : memref<1x100000x128xf32, #tpu.memory_space<hbm>> -> memref<1x312x128xf32, #tpu.memory_space<hbm>>
    %dma_start3A_286 = tpu.memref_squeeze %dma_start3A_285 : memref<1x312x128xf32, #tpu.memory_space<hbm>> -> memref<312x128xf32, #tpu.memory_space<hbm>>
    %dma_start3A_287 = tpu.memref_slice %arg6[%dma_start3A_279] : memref<2x!tpu.dma_semaphore, #tpu.memory_space<semaphore_mem>> -> memref<1x!tpu.dma_semaphore, #tpu.memory_space<semaphore_mem>>
    %dma_start3A_288 = tpu.memref_squeeze %dma_start3A_287 : memref<1x!tpu.dma_semaphore, #tpu.memory_space<semaphore_mem>> -> memref<!tpu.dma_semaphore, #tpu.memory_space<semaphore_mem>>
    %dma_start3A_289 = arith.constant 0 : i32
    %dma_start3A_290 = tpu.memref_slice %arg3[%dma_start3A_278, %add3A_276, %dma_start3A_289] : memref<1x100000x128xf32, #tpu.memory_space<hbm>> -> memref<1x312x128xf32, #tpu.memory_space<hbm>>
    %dma_start3A_291 = tpu.memref_squeeze %dma_start3A_290 : memref<1x312x128xf32, #tpu.memory_space<hbm>> -> memref<312x128xf32, #tpu.memory_space<hbm>>
    %dma_start3A_292 = arith.constant 0 : i32
    %dma_start3A_293 = arith.constant 0 : i32
    %dma_start3A_294 = tpu.memref_slice %arg4[%dma_start3A_277, %dma_start3A_292, %dma_start3A_293] : memref<2x312x128xf32, #tpu.memory_space<vmem>> -> memref<1x312x128xf32, #tpu.memory_space<vmem>>
    %dma_start3A_295 = tpu.memref_squeeze %dma_start3A_294 : memref<1x312x128xf32, #tpu.memory_space<vmem>> -> memref<312x128xf32, #tpu.memory_space<vmem>>
    tpu.enqueue_dma source(%dma_start3A_295 : memref<312x128xf32, #tpu.memory_space<vmem>>) target(%dma_start3A_291 : memref<312x128xf32, #tpu.memory_space<hbm>>) target_semaphore(%dma_start3A_288 : memref<!tpu.dma_semaphore, #tpu.memory_space<semaphore_mem>>)
    %dma_wait3A_296 = arith.constant 1 : i32
    %dma_wait3A_297 = arith.constant 0 : i32
    %dma_wait3A_298 = arith.constant 1 : i32
    %dma_wait3A_299 = arith.constant 0 : i32
    %dma_wait3A_300 = arith.constant 0 : i32
    %dma_wait3A_301 = tpu.memref_slice %arg4[%dma_wait3A_296, %dma_wait3A_299, %dma_wait3A_300] : memref<2x312x128xf32, #tpu.memory_space<vmem>> -> memref<1x312x128xf32, #tpu.memory_space<vmem>>
    %dma_wait3A_302 = tpu.memref_squeeze %dma_wait3A_301 : memref<1x312x128xf32, #tpu.memory_space<vmem>> -> memref<312x128xf32, #tpu.memory_space<vmem>>
    %dma_wait3A_303 = arith.constant 0 : i32
    %dma_wait3A_304 = tpu.memref_slice %arg3[%dma_wait3A_297, %add3A_276, %dma_wait3A_303] : memref<1x100000x128xf32, #tpu.memory_space<hbm>> -> memref<1x312x128xf32, #tpu.memory_space<hbm>>
    %dma_wait3A_305 = tpu.memref_squeeze %dma_wait3A_304 : memref<1x312x128xf32, #tpu.memory_space<hbm>> -> memref<312x128xf32, #tpu.memory_space<hbm>>
    %dma_wait3A_306 = tpu.memref_slice %arg6[%dma_wait3A_298] : memref<2x!tpu.dma_semaphore, #tpu.memory_space<semaphore_mem>> -> memref<1x!tpu.dma_semaphore, #tpu.memory_space<semaphore_mem>>
    %dma_wait3A_307 = tpu.memref_squeeze %dma_wait3A_306 : memref<1x!tpu.dma_semaphore, #tpu.memory_space<semaphore_mem>> -> memref<!tpu.dma_semaphore, #tpu.memory_space<semaphore_mem>>
    %dma_wait3A_308 = arith.constant 0 : i32
    %dma_wait3A_309 = tpu.memref_slice %arg3[%dma_wait3A_297, %add3A_276, %dma_wait3A_308] : memref<1x100000x128xf32, #tpu.memory_space<hbm>> -> memref<1x312x128xf32, #tpu.memory_space<hbm>>
    %dma_wait3A_310 = tpu.memref_squeeze %dma_wait3A_309 : memref<1x312x128xf32, #tpu.memory_space<hbm>> -> memref<312x128xf32, #tpu.memory_space<hbm>>
    %dma_wait3A_311 = arith.constant 0 : i32
    %dma_wait3A_312 = arith.constant 0 : i32
    %dma_wait3A_313 = tpu.memref_slice %arg4[%dma_wait3A_296, %dma_wait3A_311, %dma_wait3A_312] : memref<2x312x128xf32, #tpu.memory_space<vmem>> -> memref<1x312x128xf32, #tpu.memory_space<vmem>>
    %dma_wait3A_314 = tpu.memref_squeeze %dma_wait3A_313 : memref<1x312x128xf32, #tpu.memory_space<vmem>> -> memref<312x128xf32, #tpu.memory_space<vmem>>
    tpu.wait_dma2 semaphore(%dma_wait3A_307 : memref<!tpu.dma_semaphore, #tpu.memory_space<semaphore_mem>>) src(%dma_wait3A_314 : memref<312x128xf32, #tpu.memory_space<vmem>>) dst(%dma_wait3A_310 : memref<312x128xf32, #tpu.memory_space<hbm>>)
    %add3A_315 = arith.constant 1560 : i32
    %add3A_316 = arith.addi %mul3A_2, %add3A_315 : i32
    %dma_start3A_317 = arith.constant 1 : i32
    %dma_start3A_318 = arith.constant 1 : i32
    %dma_start3A_319 = arith.constant 0 : i32
    %dma_start3A_320 = arith.constant 0 : i32
    %dma_start3A_321 = tpu.memref_slice %arg4[%dma_start3A_317, %dma_start3A_319, %dma_start3A_320] : memref<2x312x128xf32, #tpu.memory_space<vmem>> -> memref<1x312x128xf32, #tpu.memory_space<vmem>>
    %dma_start3A_322 = tpu.memref_squeeze %dma_start3A_321 : memref<1x312x128xf32, #tpu.memory_space<vmem>> -> memref<312x128xf32, #tpu.memory_space<vmem>>
    %dma_start3A_323 = arith.constant 0 : i32
    %dma_start3A_324 = tpu.memref_slice %arg2[%add3A_316, %dma_start3A_323] : memref<100000x128xf32, #tpu.memory_space<hbm>> -> memref<312x128xf32, #tpu.memory_space<hbm>>
    %dma_start3A_325 = tpu.memref_slice %arg5[%dma_start3A_318] : memref<2x!tpu.dma_semaphore, #tpu.memory_space<semaphore_mem>> -> memref<1x!tpu.dma_semaphore, #tpu.memory_space<semaphore_mem>>
    %dma_start3A_326 = tpu.memref_squeeze %dma_start3A_325 : memref<1x!tpu.dma_semaphore, #tpu.memory_space<semaphore_mem>> -> memref<!tpu.dma_semaphore, #tpu.memory_space<semaphore_mem>>
    %dma_start3A_327 = arith.constant 0 : i32
    %dma_start3A_328 = arith.constant 0 : i32
    %dma_start3A_329 = tpu.memref_slice %arg4[%dma_start3A_317, %dma_start3A_327, %dma_start3A_328] : memref<2x312x128xf32, #tpu.memory_space<vmem>> -> memref<1x312x128xf32, #tpu.memory_space<vmem>>
    %dma_start3A_330 = tpu.memref_squeeze %dma_start3A_329 : memref<1x312x128xf32, #tpu.memory_space<vmem>> -> memref<312x128xf32, #tpu.memory_space<vmem>>
    %dma_start3A_331 = arith.constant 0 : i32
    %dma_start3A_332 = tpu.memref_slice %arg2[%add3A_316, %dma_start3A_331] : memref<100000x128xf32, #tpu.memory_space<hbm>> -> memref<312x128xf32, #tpu.memory_space<hbm>>
    tpu.enqueue_dma source(%dma_start3A_332 : memref<312x128xf32, #tpu.memory_space<hbm>>) target(%dma_start3A_330 : memref<312x128xf32, #tpu.memory_space<vmem>>) target_semaphore(%dma_start3A_326 : memref<!tpu.dma_semaphore, #tpu.memory_space<semaphore_mem>>)
    %dma_wait3A_333 = arith.constant 0 : i32
    %dma_wait3A_334 = arith.constant 0 : i32
    %dma_wait3A_335 = arith.constant 0 : i32
    %dma_wait3A_336 = arith.constant 0 : i32
    %dma_wait3A_337 = tpu.memref_slice %arg4[%dma_wait3A_333, %dma_wait3A_335, %dma_wait3A_336] : memref<2x312x128xf32, #tpu.memory_space<vmem>> -> memref<1x312x128xf32, #tpu.memory_space<vmem>>
    %dma_wait3A_338 = tpu.memref_squeeze %dma_wait3A_337 : memref<1x312x128xf32, #tpu.memory_space<vmem>> -> memref<312x128xf32, #tpu.memory_space<vmem>>
    %dma_wait3A_339 = arith.constant 0 : i32
    %dma_wait3A_340 = tpu.memref_slice %arg2[%add3A_242, %dma_wait3A_339] : memref<100000x128xf32, #tpu.memory_space<hbm>> -> memref<312x128xf32, #tpu.memory_space<hbm>>
    %dma_wait3A_341 = tpu.memref_slice %arg5[%dma_wait3A_334] : memref<2x!tpu.dma_semaphore, #tpu.memory_space<semaphore_mem>> -> memref<1x!tpu.dma_semaphore, #tpu.memory_space<semaphore_mem>>
    %dma_wait3A_342 = tpu.memref_squeeze %dma_wait3A_341 : memref<1x!tpu.dma_semaphore, #tpu.memory_space<semaphore_mem>> -> memref<!tpu.dma_semaphore, #tpu.memory_space<semaphore_mem>>
    %dma_wait3A_343 = arith.constant 0 : i32
    %dma_wait3A_344 = arith.constant 0 : i32
    %dma_wait3A_345 = tpu.memref_slice %arg4[%dma_wait3A_333, %dma_wait3A_343, %dma_wait3A_344] : memref<2x312x128xf32, #tpu.memory_space<vmem>> -> memref<1x312x128xf32, #tpu.memory_space<vmem>>
    %dma_wait3A_346 = tpu.memref_squeeze %dma_wait3A_345 : memref<1x312x128xf32, #tpu.memory_space<vmem>> -> memref<312x128xf32, #tpu.memory_space<vmem>>
    %dma_wait3A_347 = arith.constant 0 : i32
    %dma_wait3A_348 = tpu.memref_slice %arg2[%add3A_242, %dma_wait3A_347] : memref<100000x128xf32, #tpu.memory_space<hbm>> -> memref<312x128xf32, #tpu.memory_space<hbm>>
    tpu.wait_dma2 semaphore(%dma_wait3A_342 : memref<!tpu.dma_semaphore, #tpu.memory_space<semaphore_mem>>) src(%dma_wait3A_348 : memref<312x128xf32, #tpu.memory_space<hbm>>) dst(%dma_wait3A_346 : memref<312x128xf32, #tpu.memory_space<vmem>>)
    %add3A_349 = arith.constant 1248 : i32
    %add3A_350 = arith.addi %mul3A_2, %add3A_349 : i32
    %dma_start3A_351 = arith.constant 0 : i32
    %dma_start3A_352 = arith.constant 0 : i32
    %dma_start3A_353 = arith.constant 0 : i32
    %dma_start3A_354 = arith.constant 0 : i32
    %dma_start3A_355 = arith.constant 0 : i32
    %dma_start3A_356 = tpu.memref_slice %arg4[%dma_start3A_351, %dma_start3A_354, %dma_start3A_355] : memref<2x312x128xf32, #tpu.memory_space<vmem>> -> memref<1x312x128xf32, #tpu.memory_space<vmem>>
    %dma_start3A_357 = tpu.memref_squeeze %dma_start3A_356 : memref<1x312x128xf32, #tpu.memory_space<vmem>> -> memref<312x128xf32, #tpu.memory_space<vmem>>
    %dma_start3A_358 = arith.constant 0 : i32
    %dma_start3A_359 = tpu.memref_slice %arg3[%dma_start3A_352, %add3A_350, %dma_start3A_358] : memref<1x100000x128xf32, #tpu.memory_space<hbm>> -> memref<1x312x128xf32, #tpu.memory_space<hbm>>
    %dma_start3A_360 = tpu.memref_squeeze %dma_start3A_359 : memref<1x312x128xf32, #tpu.memory_space<hbm>> -> memref<312x128xf32, #tpu.memory_space<hbm>>
    %dma_start3A_361 = tpu.memref_slice %arg6[%dma_start3A_353] : memref<2x!tpu.dma_semaphore, #tpu.memory_space<semaphore_mem>> -> memref<1x!tpu.dma_semaphore, #tpu.memory_space<semaphore_mem>>
    %dma_start3A_362 = tpu.memref_squeeze %dma_start3A_361 : memref<1x!tpu.dma_semaphore, #tpu.memory_space<semaphore_mem>> -> memref<!tpu.dma_semaphore, #tpu.memory_space<semaphore_mem>>
    %dma_start3A_363 = arith.constant 0 : i32
    %dma_start3A_364 = tpu.memref_slice %arg3[%dma_start3A_352, %add3A_350, %dma_start3A_363] : memref<1x100000x128xf32, #tpu.memory_space<hbm>> -> memref<1x312x128xf32, #tpu.memory_space<hbm>>
    %dma_start3A_365 = tpu.memref_squeeze %dma_start3A_364 : memref<1x312x128xf32, #tpu.memory_space<hbm>> -> memref<312x128xf32, #tpu.memory_space<hbm>>
    %dma_start3A_366 = arith.constant 0 : i32
    %dma_start3A_367 = arith.constant 0 : i32
    %dma_start3A_368 = tpu.memref_slice %arg4[%dma_start3A_351, %dma_start3A_366, %dma_start3A_367] : memref<2x312x128xf32, #tpu.memory_space<vmem>> -> memref<1x312x128xf32, #tpu.memory_space<vmem>>
    %dma_start3A_369 = tpu.memref_squeeze %dma_start3A_368 : memref<1x312x128xf32, #tpu.memory_space<vmem>> -> memref<312x128xf32, #tpu.memory_space<vmem>>
    tpu.enqueue_dma source(%dma_start3A_369 : memref<312x128xf32, #tpu.memory_space<vmem>>) target(%dma_start3A_365 : memref<312x128xf32, #tpu.memory_space<hbm>>) target_semaphore(%dma_start3A_362 : memref<!tpu.dma_semaphore, #tpu.memory_space<semaphore_mem>>)
    %dma_wait3A_370 = arith.constant 0 : i32
    %dma_wait3A_371 = arith.constant 0 : i32
    %dma_wait3A_372 = arith.constant 0 : i32
    %dma_wait3A_373 = arith.constant 0 : i32
    %dma_wait3A_374 = arith.constant 0 : i32
    %dma_wait3A_375 = tpu.memref_slice %arg4[%dma_wait3A_370, %dma_wait3A_373, %dma_wait3A_374] : memref<2x312x128xf32, #tpu.memory_space<vmem>> -> memref<1x312x128xf32, #tpu.memory_space<vmem>>
    %dma_wait3A_376 = tpu.memref_squeeze %dma_wait3A_375 : memref<1x312x128xf32, #tpu.memory_space<vmem>> -> memref<312x128xf32, #tpu.memory_space<vmem>>
    %dma_wait3A_377 = arith.constant 0 : i32
    %dma_wait3A_378 = tpu.memref_slice %arg3[%dma_wait3A_371, %add3A_350, %dma_wait3A_377] : memref<1x100000x128xf32, #tpu.memory_space<hbm>> -> memref<1x312x128xf32, #tpu.memory_space<hbm>>
    %dma_wait3A_379 = tpu.memref_squeeze %dma_wait3A_378 : memref<1x312x128xf32, #tpu.memory_space<hbm>> -> memref<312x128xf32, #tpu.memory_space<hbm>>
    %dma_wait3A_380 = tpu.memref_slice %arg6[%dma_wait3A_372] : memref<2x!tpu.dma_semaphore, #tpu.memory_space<semaphore_mem>> -> memref<1x!tpu.dma_semaphore, #tpu.memory_space<semaphore_mem>>
    %dma_wait3A_381 = tpu.memref_squeeze %dma_wait3A_380 : memref<1x!tpu.dma_semaphore, #tpu.memory_space<semaphore_mem>> -> memref<!tpu.dma_semaphore, #tpu.memory_space<semaphore_mem>>
    %dma_wait3A_382 = arith.constant 0 : i32
    %dma_wait3A_383 = tpu.memref_slice %arg3[%dma_wait3A_371, %add3A_350, %dma_wait3A_382] : memref<1x100000x128xf32, #tpu.memory_space<hbm>> -> memref<1x312x128xf32, #tpu.memory_space<hbm>>
    %dma_wait3A_384 = tpu.memref_squeeze %dma_wait3A_383 : memref<1x312x128xf32, #tpu.memory_space<hbm>> -> memref<312x128xf32, #tpu.memory_space<hbm>>
    %dma_wait3A_385 = arith.constant 0 : i32
    %dma_wait3A_386 = arith.constant 0 : i32
    %dma_wait3A_387 = tpu.memref_slice %arg4[%dma_wait3A_370, %dma_wait3A_385, %dma_wait3A_386] : memref<2x312x128xf32, #tpu.memory_space<vmem>> -> memref<1x312x128xf32, #tpu.memory_space<vmem>>
    %dma_wait3A_388 = tpu.memref_squeeze %dma_wait3A_387 : memref<1x312x128xf32, #tpu.memory_space<vmem>> -> memref<312x128xf32, #tpu.memory_space<vmem>>
    tpu.wait_dma2 semaphore(%dma_wait3A_381 : memref<!tpu.dma_semaphore, #tpu.memory_space<semaphore_mem>>) src(%dma_wait3A_388 : memref<312x128xf32, #tpu.memory_space<vmem>>) dst(%dma_wait3A_384 : memref<312x128xf32, #tpu.memory_space<hbm>>)
    %add3A_389 = arith.constant 1872 : i32
    %add3A_390 = arith.addi %mul3A_2, %add3A_389 : i32
    %dma_start3A_391 = arith.constant 0 : i32
    %dma_start3A_392 = arith.constant 0 : i32
    %dma_start3A_393 = arith.constant 0 : i32
    %dma_start3A_394 = arith.constant 0 : i32
    %dma_start3A_395 = tpu.memref_slice %arg4[%dma_start3A_391, %dma_start3A_393, %dma_start3A_394] : memref<2x312x128xf32, #tpu.memory_space<vmem>> -> memref<1x312x128xf32, #tpu.memory_space<vmem>>
    %dma_start3A_396 = tpu.memref_squeeze %dma_start3A_395 : memref<1x312x128xf32, #tpu.memory_space<vmem>> -> memref<312x128xf32, #tpu.memory_space<vmem>>
    %dma_start3A_397 = arith.constant 0 : i32
    %dma_start3A_398 = tpu.memref_slice %arg2[%add3A_390, %dma_start3A_397] : memref<100000x128xf32, #tpu.memory_space<hbm>> -> memref<312x128xf32, #tpu.memory_space<hbm>>
    %dma_start3A_399 = tpu.memref_slice %arg5[%dma_start3A_392] : memref<2x!tpu.dma_semaphore, #tpu.memory_space<semaphore_mem>> -> memref<1x!tpu.dma_semaphore, #tpu.memory_space<semaphore_mem>>
    %dma_start3A_400 = tpu.memref_squeeze %dma_start3A_399 : memref<1x!tpu.dma_semaphore, #tpu.memory_space<semaphore_mem>> -> memref<!tpu.dma_semaphore, #tpu.memory_space<semaphore_mem>>
    %dma_start3A_401 = arith.constant 0 : i32
    %dma_start3A_402 = arith.constant 0 : i32
    %dma_start3A_403 = tpu.memref_slice %arg4[%dma_start3A_391, %dma_start3A_401, %dma_start3A_402] : memref<2x312x128xf32, #tpu.memory_space<vmem>> -> memref<1x312x128xf32, #tpu.memory_space<vmem>>
    %dma_start3A_404 = tpu.memref_squeeze %dma_start3A_403 : memref<1x312x128xf32, #tpu.memory_space<vmem>> -> memref<312x128xf32, #tpu.memory_space<vmem>>
    %dma_start3A_405 = arith.constant 0 : i32
    %dma_start3A_406 = tpu.memref_slice %arg2[%add3A_390, %dma_start3A_405] : memref<100000x128xf32, #tpu.memory_space<hbm>> -> memref<312x128xf32, #tpu.memory_space<hbm>>
    tpu.enqueue_dma source(%dma_start3A_406 : memref<312x128xf32, #tpu.memory_space<hbm>>) target(%dma_start3A_404 : memref<312x128xf32, #tpu.memory_space<vmem>>) target_semaphore(%dma_start3A_400 : memref<!tpu.dma_semaphore, #tpu.memory_space<semaphore_mem>>)
    %dma_wait3A_407 = arith.constant 1 : i32
    %dma_wait3A_408 = arith.constant 1 : i32
    %dma_wait3A_409 = arith.constant 0 : i32
    %dma_wait3A_410 = arith.constant 0 : i32
    %dma_wait3A_411 = tpu.memref_slice %arg4[%dma_wait3A_407, %dma_wait3A_409, %dma_wait3A_410] : memref<2x312x128xf32, #tpu.memory_space<vmem>> -> memref<1x312x128xf32, #tpu.memory_space<vmem>>
    %dma_wait3A_412 = tpu.memref_squeeze %dma_wait3A_411 : memref<1x312x128xf32, #tpu.memory_space<vmem>> -> memref<312x128xf32, #tpu.memory_space<vmem>>
    %dma_wait3A_413 = arith.constant 0 : i32
    %dma_wait3A_414 = tpu.memref_slice %arg2[%add3A_316, %dma_wait3A_413] : memref<100000x128xf32, #tpu.memory_space<hbm>> -> memref<312x128xf32, #tpu.memory_space<hbm>>
    %dma_wait3A_415 = tpu.memref_slice %arg5[%dma_wait3A_408] : memref<2x!tpu.dma_semaphore, #tpu.memory_space<semaphore_mem>> -> memref<1x!tpu.dma_semaphore, #tpu.memory_space<semaphore_mem>>
    %dma_wait3A_416 = tpu.memref_squeeze %dma_wait3A_415 : memref<1x!tpu.dma_semaphore, #tpu.memory_space<semaphore_mem>> -> memref<!tpu.dma_semaphore, #tpu.memory_space<semaphore_mem>>
    %dma_wait3A_417 = arith.constant 0 : i32
    %dma_wait3A_418 = arith.constant 0 : i32
    %dma_wait3A_419 = tpu.memref_slice %arg4[%dma_wait3A_407, %dma_wait3A_417, %dma_wait3A_418] : memref<2x312x128xf32, #tpu.memory_space<vmem>> -> memref<1x312x128xf32, #tpu.memory_space<vmem>>
    %dma_wait3A_420 = tpu.memref_squeeze %dma_wait3A_419 : memref<1x312x128xf32, #tpu.memory_space<vmem>> -> memref<312x128xf32, #tpu.memory_space<vmem>>
    %dma_wait3A_421 = arith.constant 0 : i32
    %dma_wait3A_422 = tpu.memref_slice %arg2[%add3A_316, %dma_wait3A_421] : memref<100000x128xf32, #tpu.memory_space<hbm>> -> memref<312x128xf32, #tpu.memory_space<hbm>>
    tpu.wait_dma2 semaphore(%dma_wait3A_416 : memref<!tpu.dma_semaphore, #tpu.memory_space<semaphore_mem>>) src(%dma_wait3A_422 : memref<312x128xf32, #tpu.memory_space<hbm>>) dst(%dma_wait3A_420 : memref<312x128xf32, #tpu.memory_space<vmem>>)
    %add3A_423 = arith.constant 1560 : i32
    %add3A_424 = arith.addi %mul3A_2, %add3A_423 : i32
    %dma_start3A_425 = arith.constant 1 : i32
    %dma_start3A_426 = arith.constant 0 : i32
    %dma_start3A_427 = arith.constant 1 : i32
    %dma_start3A_428 = arith.constant 0 : i32
    %dma_start3A_429 = arith.constant 0 : i32
    %dma_start3A_430 = tpu.memref_slice %arg4[%dma_start3A_425, %dma_start3A_428, %dma_start3A_429] : memref<2x312x128xf32, #tpu.memory_space<vmem>> -> memref<1x312x128xf32, #tpu.memory_space<vmem>>
    %dma_start3A_431 = tpu.memref_squeeze %dma_start3A_430 : memref<1x312x128xf32, #tpu.memory_space<vmem>> -> memref<312x128xf32, #tpu.memory_space<vmem>>
    %dma_start3A_432 = arith.constant 0 : i32
    %dma_start3A_433 = tpu.memref_slice %arg3[%dma_start3A_426, %add3A_424, %dma_start3A_432] : memref<1x100000x128xf32, #tpu.memory_space<hbm>> -> memref<1x312x128xf32, #tpu.memory_space<hbm>>
    %dma_start3A_434 = tpu.memref_squeeze %dma_start3A_433 : memref<1x312x128xf32, #tpu.memory_space<hbm>> -> memref<312x128xf32, #tpu.memory_space<hbm>>
    %dma_start3A_435 = tpu.memref_slice %arg6[%dma_start3A_427] : memref<2x!tpu.dma_semaphore, #tpu.memory_space<semaphore_mem>> -> memref<1x!tpu.dma_semaphore, #tpu.memory_space<semaphore_mem>>
    %dma_start3A_436 = tpu.memref_squeeze %dma_start3A_435 : memref<1x!tpu.dma_semaphore, #tpu.memory_space<semaphore_mem>> -> memref<!tpu.dma_semaphore, #tpu.memory_space<semaphore_mem>>
    %dma_start3A_437 = arith.constant 0 : i32
    %dma_start3A_438 = tpu.memref_slice %arg3[%dma_start3A_426, %add3A_424, %dma_start3A_437] : memref<1x100000x128xf32, #tpu.memory_space<hbm>> -> memref<1x312x128xf32, #tpu.memory_space<hbm>>
    %dma_start3A_439 = tpu.memref_squeeze %dma_start3A_438 : memref<1x312x128xf32, #tpu.memory_space<hbm>> -> memref<312x128xf32, #tpu.memory_space<hbm>>
    %dma_start3A_440 = arith.constant 0 : i32
    %dma_start3A_441 = arith.constant 0 : i32
    %dma_start3A_442 = tpu.memref_slice %arg4[%dma_start3A_425, %dma_start3A_440, %dma_start3A_441] : memref<2x312x128xf32, #tpu.memory_space<vmem>> -> memref<1x312x128xf32, #tpu.memory_space<vmem>>
    %dma_start3A_443 = tpu.memref_squeeze %dma_start3A_442 : memref<1x312x128xf32, #tpu.memory_space<vmem>> -> memref<312x128xf32, #tpu.memory_space<vmem>>
    tpu.enqueue_dma source(%dma_start3A_443 : memref<312x128xf32, #tpu.memory_space<vmem>>) target(%dma_start3A_439 : memref<312x128xf32, #tpu.memory_space<hbm>>) target_semaphore(%dma_start3A_436 : memref<!tpu.dma_semaphore, #tpu.memory_space<semaphore_mem>>)
    %dma_wait3A_444 = arith.constant 1 : i32
    %dma_wait3A_445 = arith.constant 0 : i32
    %dma_wait3A_446 = arith.constant 1 : i32
    %dma_wait3A_447 = arith.constant 0 : i32
    %dma_wait3A_448 = arith.constant 0 : i32
    %dma_wait3A_449 = tpu.memref_slice %arg4[%dma_wait3A_444, %dma_wait3A_447, %dma_wait3A_448] : memref<2x312x128xf32, #tpu.memory_space<vmem>> -> memref<1x312x128xf32, #tpu.memory_space<vmem>>
    %dma_wait3A_450 = tpu.memref_squeeze %dma_wait3A_449 : memref<1x312x128xf32, #tpu.memory_space<vmem>> -> memref<312x128xf32, #tpu.memory_space<vmem>>
    %dma_wait3A_451 = arith.constant 0 : i32
    %dma_wait3A_452 = tpu.memref_slice %arg3[%dma_wait3A_445, %add3A_424, %dma_wait3A_451] : memref<1x100000x128xf32, #tpu.memory_space<hbm>> -> memref<1x312x128xf32, #tpu.memory_space<hbm>>
    %dma_wait3A_453 = tpu.memref_squeeze %dma_wait3A_452 : memref<1x312x128xf32, #tpu.memory_space<hbm>> -> memref<312x128xf32, #tpu.memory_space<hbm>>
    %dma_wait3A_454 = tpu.memref_slice %arg6[%dma_wait3A_446] : memref<2x!tpu.dma_semaphore, #tpu.memory_space<semaphore_mem>> -> memref<1x!tpu.dma_semaphore, #tpu.memory_space<semaphore_mem>>
    %dma_wait3A_455 = tpu.memref_squeeze %dma_wait3A_454 : memref<1x!tpu.dma_semaphore, #tpu.memory_space<semaphore_mem>> -> memref<!tpu.dma_semaphore, #tpu.memory_space<semaphore_mem>>
    %dma_wait3A_456 = arith.constant 0 : i32
    %dma_wait3A_457 = tpu.memref_slice %arg3[%dma_wait3A_445, %add3A_424, %dma_wait3A_456] : memref<1x100000x128xf32, #tpu.memory_space<hbm>> -> memref<1x312x128xf32, #tpu.memory_space<hbm>>
    %dma_wait3A_458 = tpu.memref_squeeze %dma_wait3A_457 : memref<1x312x128xf32, #tpu.memory_space<hbm>> -> memref<312x128xf32, #tpu.memory_space<hbm>>
    %dma_wait3A_459 = arith.constant 0 : i32
    %dma_wait3A_460 = arith.constant 0 : i32
    %dma_wait3A_461 = tpu.memref_slice %arg4[%dma_wait3A_444, %dma_wait3A_459, %dma_wait3A_460] : memref<2x312x128xf32, #tpu.memory_space<vmem>> -> memref<1x312x128xf32, #tpu.memory_space<vmem>>
    %dma_wait3A_462 = tpu.memref_squeeze %dma_wait3A_461 : memref<1x312x128xf32, #tpu.memory_space<vmem>> -> memref<312x128xf32, #tpu.memory_space<vmem>>
    tpu.wait_dma2 semaphore(%dma_wait3A_455 : memref<!tpu.dma_semaphore, #tpu.memory_space<semaphore_mem>>) src(%dma_wait3A_462 : memref<312x128xf32, #tpu.memory_space<vmem>>) dst(%dma_wait3A_458 : memref<312x128xf32, #tpu.memory_space<hbm>>)
    %add3A_463 = arith.constant 2184 : i32
    %add3A_464 = arith.addi %mul3A_2, %add3A_463 : i32
    %dma_start3A_465 = arith.constant 1 : i32
    %dma_start3A_466 = arith.constant 1 : i32
    %dma_start3A_467 = arith.constant 0 : i32
    %dma_start3A_468 = arith.constant 0 : i32
    %dma_start3A_469 = tpu.memref_slice %arg4[%dma_start3A_465, %dma_start3A_467, %dma_start3A_468] : memref<2x312x128xf32, #tpu.memory_space<vmem>> -> memref<1x312x128xf32, #tpu.memory_space<vmem>>
    %dma_start3A_470 = tpu.memref_squeeze %dma_start3A_469 : memref<1x312x128xf32, #tpu.memory_space<vmem>> -> memref<312x128xf32, #tpu.memory_space<vmem>>
    %dma_start3A_471 = arith.constant 0 : i32
    %dma_start3A_472 = tpu.memref_slice %arg2[%add3A_464, %dma_start3A_471] : memref<100000x128xf32, #tpu.memory_space<hbm>> -> memref<312x128xf32, #tpu.memory_space<hbm>>
    %dma_start3A_473 = tpu.memref_slice %arg5[%dma_start3A_466] : memref<2x!tpu.dma_semaphore, #tpu.memory_space<semaphore_mem>> -> memref<1x!tpu.dma_semaphore, #tpu.memory_space<semaphore_mem>>
    %dma_start3A_474 = tpu.memref_squeeze %dma_start3A_473 : memref<1x!tpu.dma_semaphore, #tpu.memory_space<semaphore_mem>> -> memref<!tpu.dma_semaphore, #tpu.memory_space<semaphore_mem>>
    %dma_start3A_475 = arith.constant 0 : i32
    %dma_start3A_476 = arith.constant 0 : i32
    %dma_start3A_477 = tpu.memref_slice %arg4[%dma_start3A_465, %dma_start3A_475, %dma_start3A_476] : memref<2x312x128xf32, #tpu.memory_space<vmem>> -> memref<1x312x128xf32, #tpu.memory_space<vmem>>
    %dma_start3A_478 = tpu.memref_squeeze %dma_start3A_477 : memref<1x312x128xf32, #tpu.memory_space<vmem>> -> memref<312x128xf32, #tpu.memory_space<vmem>>
    %dma_start3A_479 = arith.constant 0 : i32
    %dma_start3A_480 = tpu.memref_slice %arg2[%add3A_464, %dma_start3A_479] : memref<100000x128xf32, #tpu.memory_space<hbm>> -> memref<312x128xf32, #tpu.memory_space<hbm>>
    tpu.enqueue_dma source(%dma_start3A_480 : memref<312x128xf32, #tpu.memory_space<hbm>>) target(%dma_start3A_478 : memref<312x128xf32, #tpu.memory_space<vmem>>) target_semaphore(%dma_start3A_474 : memref<!tpu.dma_semaphore, #tpu.memory_space<semaphore_mem>>)
    %dma_wait3A_481 = arith.constant 0 : i32
    %dma_wait3A_482 = arith.constant 0 : i32
    %dma_wait3A_483 = arith.constant 0 : i32
    %dma_wait3A_484 = arith.constant 0 : i32
    %dma_wait3A_485 = tpu.memref_slice %arg4[%dma_wait3A_481, %dma_wait3A_483, %dma_wait3A_484] : memref<2x312x128xf32, #tpu.memory_space<vmem>> -> memref<1x312x128xf32, #tpu.memory_space<vmem>>
    %dma_wait3A_486 = tpu.memref_squeeze %dma_wait3A_485 : memref<1x312x128xf32, #tpu.memory_space<vmem>> -> memref<312x128xf32, #tpu.memory_space<vmem>>
    %dma_wait3A_487 = arith.constant 0 : i32
    %dma_wait3A_488 = tpu.memref_slice %arg2[%add3A_390, %dma_wait3A_487] : memref<100000x128xf32, #tpu.memory_space<hbm>> -> memref<312x128xf32, #tpu.memory_space<hbm>>
    %dma_wait3A_489 = tpu.memref_slice %arg5[%dma_wait3A_482] : memref<2x!tpu.dma_semaphore, #tpu.memory_space<semaphore_mem>> -> memref<1x!tpu.dma_semaphore, #tpu.memory_space<semaphore_mem>>
    %dma_wait3A_490 = tpu.memref_squeeze %dma_wait3A_489 : memref<1x!tpu.dma_semaphore, #tpu.memory_space<semaphore_mem>> -> memref<!tpu.dma_semaphore, #tpu.memory_space<semaphore_mem>>
    %dma_wait3A_491 = arith.constant 0 : i32
    %dma_wait3A_492 = arith.constant 0 : i32
    %dma_wait3A_493 = tpu.memref_slice %arg4[%dma_wait3A_481, %dma_wait3A_491, %dma_wait3A_492] : memref<2x312x128xf32, #tpu.memory_space<vmem>> -> memref<1x312x128xf32, #tpu.memory_space<vmem>>
    %dma_wait3A_494 = tpu.memref_squeeze %dma_wait3A_493 : memref<1x312x128xf32, #tpu.memory_space<vmem>> -> memref<312x128xf32, #tpu.memory_space<vmem>>
    %dma_wait3A_495 = arith.constant 0 : i32
    %dma_wait3A_496 = tpu.memref_slice %arg2[%add3A_390, %dma_wait3A_495] : memref<100000x128xf32, #tpu.memory_space<hbm>> -> memref<312x128xf32, #tpu.memory_space<hbm>>
    tpu.wait_dma2 semaphore(%dma_wait3A_490 : memref<!tpu.dma_semaphore, #tpu.memory_space<semaphore_mem>>) src(%dma_wait3A_496 : memref<312x128xf32, #tpu.memory_space<hbm>>) dst(%dma_wait3A_494 : memref<312x128xf32, #tpu.memory_space<vmem>>)
    %add3A_497 = arith.constant 1872 : i32
    %add3A_498 = arith.addi %mul3A_2, %add3A_497 : i32
    %dma_start3A_499 = arith.constant 0 : i32
    %dma_start3A_500 = arith.constant 0 : i32
    %dma_start3A_501 = arith.constant 0 : i32
    %dma_start3A_502 = arith.constant 0 : i32
    %dma_start3A_503 = arith.constant 0 : i32
    %dma_start3A_504 = tpu.memref_slice %arg4[%dma_start3A_499, %dma_start3A_502, %dma_start3A_503] : memref<2x312x128xf32, #tpu.memory_space<vmem>> -> memref<1x312x128xf32, #tpu.memory_space<vmem>>
    %dma_start3A_505 = tpu.memref_squeeze %dma_start3A_504 : memref<1x312x128xf32, #tpu.memory_space<vmem>> -> memref<312x128xf32, #tpu.memory_space<vmem>>
    %dma_start3A_506 = arith.constant 0 : i32
    %dma_start3A_507 = tpu.memref_slice %arg3[%dma_start3A_500, %add3A_498, %dma_start3A_506] : memref<1x100000x128xf32, #tpu.memory_space<hbm>> -> memref<1x312x128xf32, #tpu.memory_space<hbm>>
    %dma_start3A_508 = tpu.memref_squeeze %dma_start3A_507 : memref<1x312x128xf32, #tpu.memory_space<hbm>> -> memref<312x128xf32, #tpu.memory_space<hbm>>
    %dma_start3A_509 = tpu.memref_slice %arg6[%dma_start3A_501] : memref<2x!tpu.dma_semaphore, #tpu.memory_space<semaphore_mem>> -> memref<1x!tpu.dma_semaphore, #tpu.memory_space<semaphore_mem>>
    %dma_start3A_510 = tpu.memref_squeeze %dma_start3A_509 : memref<1x!tpu.dma_semaphore, #tpu.memory_space<semaphore_mem>> -> memref<!tpu.dma_semaphore, #tpu.memory_space<semaphore_mem>>
    %dma_start3A_511 = arith.constant 0 : i32
    %dma_start3A_512 = tpu.memref_slice %arg3[%dma_start3A_500, %add3A_498, %dma_start3A_511] : memref<1x100000x128xf32, #tpu.memory_space<hbm>> -> memref<1x312x128xf32, #tpu.memory_space<hbm>>
    %dma_start3A_513 = tpu.memref_squeeze %dma_start3A_512 : memref<1x312x128xf32, #tpu.memory_space<hbm>> -> memref<312x128xf32, #tpu.memory_space<hbm>>
    %dma_start3A_514 = arith.constant 0 : i32
    %dma_start3A_515 = arith.constant 0 : i32
    %dma_start3A_516 = tpu.memref_slice %arg4[%dma_start3A_499, %dma_start3A_514, %dma_start3A_515] : memref<2x312x128xf32, #tpu.memory_space<vmem>> -> memref<1x312x128xf32, #tpu.memory_space<vmem>>
    %dma_start3A_517 = tpu.memref_squeeze %dma_start3A_516 : memref<1x312x128xf32, #tpu.memory_space<vmem>> -> memref<312x128xf32, #tpu.memory_space<vmem>>
    tpu.enqueue_dma source(%dma_start3A_517 : memref<312x128xf32, #tpu.memory_space<vmem>>) target(%dma_start3A_513 : memref<312x128xf32, #tpu.memory_space<hbm>>) target_semaphore(%dma_start3A_510 : memref<!tpu.dma_semaphore, #tpu.memory_space<semaphore_mem>>)
    %dma_wait3A_518 = arith.constant 0 : i32
    %dma_wait3A_519 = arith.constant 0 : i32
    %dma_wait3A_520 = arith.constant 0 : i32
    %dma_wait3A_521 = arith.constant 0 : i32
    %dma_wait3A_522 = arith.constant 0 : i32
    %dma_wait3A_523 = tpu.memref_slice %arg4[%dma_wait3A_518, %dma_wait3A_521, %dma_wait3A_522] : memref<2x312x128xf32, #tpu.memory_space<vmem>> -> memref<1x312x128xf32, #tpu.memory_space<vmem>>
    %dma_wait3A_524 = tpu.memref_squeeze %dma_wait3A_523 : memref<1x312x128xf32, #tpu.memory_space<vmem>> -> memref<312x128xf32, #tpu.memory_space<vmem>>
    %dma_wait3A_525 = arith.constant 0 : i32
    %dma_wait3A_526 = tpu.memref_slice %arg3[%dma_wait3A_519, %add3A_498, %dma_wait3A_525] : memref<1x100000x128xf32, #tpu.memory_space<hbm>> -> memref<1x312x128xf32, #tpu.memory_space<hbm>>
    %dma_wait3A_527 = tpu.memref_squeeze %dma_wait3A_526 : memref<1x312x128xf32, #tpu.memory_space<hbm>> -> memref<312x128xf32, #tpu.memory_space<hbm>>
    %dma_wait3A_528 = tpu.memref_slice %arg6[%dma_wait3A_520] : memref<2x!tpu.dma_semaphore, #tpu.memory_space<semaphore_mem>> -> memref<1x!tpu.dma_semaphore, #tpu.memory_space<semaphore_mem>>
    %dma_wait3A_529 = tpu.memref_squeeze %dma_wait3A_528 : memref<1x!tpu.dma_semaphore, #tpu.memory_space<semaphore_mem>> -> memref<!tpu.dma_semaphore, #tpu.memory_space<semaphore_mem>>
    %dma_wait3A_530 = arith.constant 0 : i32
    %dma_wait3A_531 = tpu.memref_slice %arg3[%dma_wait3A_519, %add3A_498, %dma_wait3A_530] : memref<1x100000x128xf32, #tpu.memory_space<hbm>> -> memref<1x312x128xf32, #tpu.memory_space<hbm>>
    %dma_wait3A_532 = tpu.memref_squeeze %dma_wait3A_531 : memref<1x312x128xf32, #tpu.memory_space<hbm>> -> memref<312x128xf32, #tpu.memory_space<hbm>>
    %dma_wait3A_533 = arith.constant 0 : i32
    %dma_wait3A_534 = arith.constant 0 : i32
    %dma_wait3A_535 = tpu.memref_slice %arg4[%dma_wait3A_518, %dma_wait3A_533, %dma_wait3A_534] : memref<2x312x128xf32, #tpu.memory_space<vmem>> -> memref<1x312x128xf32, #tpu.memory_space<vmem>>
    %dma_wait3A_536 = tpu.memref_squeeze %dma_wait3A_535 : memref<1x312x128xf32, #tpu.memory_space<vmem>> -> memref<312x128xf32, #tpu.memory_space<vmem>>
    tpu.wait_dma2 semaphore(%dma_wait3A_529 : memref<!tpu.dma_semaphore, #tpu.memory_space<semaphore_mem>>) src(%dma_wait3A_536 : memref<312x128xf32, #tpu.memory_space<vmem>>) dst(%dma_wait3A_532 : memref<312x128xf32, #tpu.memory_space<hbm>>)
    %add3A_537 = arith.constant 2496 : i32
    %add3A_538 = arith.addi %mul3A_2, %add3A_537 : i32
    %dma_start3A_539 = arith.constant 0 : i32
    %dma_start3A_540 = arith.constant 0 : i32
    %dma_start3A_541 = arith.constant 0 : i32
    %dma_start3A_542 = arith.constant 0 : i32
    %dma_start3A_543 = tpu.memref_slice %arg4[%dma_start3A_539, %dma_start3A_541, %dma_start3A_542] : memref<2x312x128xf32, #tpu.memory_space<vmem>> -> memref<1x312x128xf32, #tpu.memory_space<vmem>>
    %dma_start3A_544 = tpu.memref_squeeze %dma_start3A_543 : memref<1x312x128xf32, #tpu.memory_space<vmem>> -> memref<312x128xf32, #tpu.memory_space<vmem>>
    %dma_start3A_545 = arith.constant 0 : i32
    %dma_start3A_546 = tpu.memref_slice %arg2[%add3A_538, %dma_start3A_545] : memref<100000x128xf32, #tpu.memory_space<hbm>> -> memref<312x128xf32, #tpu.memory_space<hbm>>
    %dma_start3A_547 = tpu.memref_slice %arg5[%dma_start3A_540] : memref<2x!tpu.dma_semaphore, #tpu.memory_space<semaphore_mem>> -> memref<1x!tpu.dma_semaphore, #tpu.memory_space<semaphore_mem>>
    %dma_start3A_548 = tpu.memref_squeeze %dma_start3A_547 : memref<1x!tpu.dma_semaphore, #tpu.memory_space<semaphore_mem>> -> memref<!tpu.dma_semaphore, #tpu.memory_space<semaphore_mem>>
    %dma_start3A_549 = arith.constant 0 : i32
    %dma_start3A_550 = arith.constant 0 : i32
    %dma_start3A_551 = tpu.memref_slice %arg4[%dma_start3A_539, %dma_start3A_549, %dma_start3A_550] : memref<2x312x128xf32, #tpu.memory_space<vmem>> -> memref<1x312x128xf32, #tpu.memory_space<vmem>>
    %dma_start3A_552 = tpu.memref_squeeze %dma_start3A_551 : memref<1x312x128xf32, #tpu.memory_space<vmem>> -> memref<312x128xf32, #tpu.memory_space<vmem>>
    %dma_start3A_553 = arith.constant 0 : i32
    %dma_start3A_554 = tpu.memref_slice %arg2[%add3A_538, %dma_start3A_553] : memref<100000x128xf32, #tpu.memory_space<hbm>> -> memref<312x128xf32, #tpu.memory_space<hbm>>
    tpu.enqueue_dma source(%dma_start3A_554 : memref<312x128xf32, #tpu.memory_space<hbm>>) target(%dma_start3A_552 : memref<312x128xf32, #tpu.memory_space<vmem>>) target_semaphore(%dma_start3A_548 : memref<!tpu.dma_semaphore, #tpu.memory_space<semaphore_mem>>)
    %dma_wait3A_555 = arith.constant 1 : i32
    %dma_wait3A_556 = arith.constant 1 : i32
    %dma_wait3A_557 = arith.constant 0 : i32
    %dma_wait3A_558 = arith.constant 0 : i32
    %dma_wait3A_559 = tpu.memref_slice %arg4[%dma_wait3A_555, %dma_wait3A_557, %dma_wait3A_558] : memref<2x312x128xf32, #tpu.memory_space<vmem>> -> memref<1x312x128xf32, #tpu.memory_space<vmem>>
    %dma_wait3A_560 = tpu.memref_squeeze %dma_wait3A_559 : memref<1x312x128xf32, #tpu.memory_space<vmem>> -> memref<312x128xf32, #tpu.memory_space<vmem>>
    %dma_wait3A_561 = arith.constant 0 : i32
    %dma_wait3A_562 = tpu.memref_slice %arg2[%add3A_464, %dma_wait3A_561] : memref<100000x128xf32, #tpu.memory_space<hbm>> -> memref<312x128xf32, #tpu.memory_space<hbm>>
    %dma_wait3A_563 = tpu.memref_slice %arg5[%dma_wait3A_556] : memref<2x!tpu.dma_semaphore, #tpu.memory_space<semaphore_mem>> -> memref<1x!tpu.dma_semaphore, #tpu.memory_space<semaphore_mem>>
    %dma_wait3A_564 = tpu.memref_squeeze %dma_wait3A_563 : memref<1x!tpu.dma_semaphore, #tpu.memory_space<semaphore_mem>> -> memref<!tpu.dma_semaphore, #tpu.memory_space<semaphore_mem>>
    %dma_wait3A_565 = arith.constant 0 : i32
    %dma_wait3A_566 = arith.constant 0 : i32
    %dma_wait3A_567 = tpu.memref_slice %arg4[%dma_wait3A_555, %dma_wait3A_565, %dma_wait3A_566] : memref<2x312x128xf32, #tpu.memory_space<vmem>> -> memref<1x312x128xf32, #tpu.memory_space<vmem>>
    %dma_wait3A_568 = tpu.memref_squeeze %dma_wait3A_567 : memref<1x312x128xf32, #tpu.memory_space<vmem>> -> memref<312x128xf32, #tpu.memory_space<vmem>>
    %dma_wait3A_569 = arith.constant 0 : i32
    %dma_wait3A_570 = tpu.memref_slice %arg2[%add3A_464, %dma_wait3A_569] : memref<100000x128xf32, #tpu.memory_space<hbm>> -> memref<312x128xf32, #tpu.memory_space<hbm>>
    tpu.wait_dma2 semaphore(%dma_wait3A_564 : memref<!tpu.dma_semaphore, #tpu.memory_space<semaphore_mem>>) src(%dma_wait3A_570 : memref<312x128xf32, #tpu.memory_space<hbm>>) dst(%dma_wait3A_568 : memref<312x128xf32, #tpu.memory_space<vmem>>)
    %add3A_571 = arith.constant 2184 : i32
    %add3A_572 = arith.addi %mul3A_2, %add3A_571 : i32
    %dma_start3A_573 = arith.constant 1 : i32
    %dma_start3A_574 = arith.constant 0 : i32
    %dma_start3A_575 = arith.constant 1 : i32
    %dma_start3A_576 = arith.constant 0 : i32
    %dma_start3A_577 = arith.constant 0 : i32
    %dma_start3A_578 = tpu.memref_slice %arg4[%dma_start3A_573, %dma_start3A_576, %dma_start3A_577] : memref<2x312x128xf32, #tpu.memory_space<vmem>> -> memref<1x312x128xf32, #tpu.memory_space<vmem>>
    %dma_start3A_579 = tpu.memref_squeeze %dma_start3A_578 : memref<1x312x128xf32, #tpu.memory_space<vmem>> -> memref<312x128xf32, #tpu.memory_space<vmem>>
    %dma_start3A_580 = arith.constant 0 : i32
    %dma_start3A_581 = tpu.memref_slice %arg3[%dma_start3A_574, %add3A_572, %dma_start3A_580] : memref<1x100000x128xf32, #tpu.memory_space<hbm>> -> memref<1x312x128xf32, #tpu.memory_space<hbm>>
    %dma_start3A_582 = tpu.memref_squeeze %dma_start3A_581 : memref<1x312x128xf32, #tpu.memory_space<hbm>> -> memref<312x128xf32, #tpu.memory_space<hbm>>
    %dma_start3A_583 = tpu.memref_slice %arg6[%dma_start3A_575] : memref<2x!tpu.dma_semaphore, #tpu.memory_space<semaphore_mem>> -> memref<1x!tpu.dma_semaphore, #tpu.memory_space<semaphore_mem>>
    %dma_start3A_584 = tpu.memref_squeeze %dma_start3A_583 : memref<1x!tpu.dma_semaphore, #tpu.memory_space<semaphore_mem>> -> memref<!tpu.dma_semaphore, #tpu.memory_space<semaphore_mem>>
    %dma_start3A_585 = arith.constant 0 : i32
    %dma_start3A_586 = tpu.memref_slice %arg3[%dma_start3A_574, %add3A_572, %dma_start3A_585] : memref<1x100000x128xf32, #tpu.memory_space<hbm>> -> memref<1x312x128xf32, #tpu.memory_space<hbm>>
    %dma_start3A_587 = tpu.memref_squeeze %dma_start3A_586 : memref<1x312x128xf32, #tpu.memory_space<hbm>> -> memref<312x128xf32, #tpu.memory_space<hbm>>
    %dma_start3A_588 = arith.constant 0 : i32
    %dma_start3A_589 = arith.constant 0 : i32
    %dma_start3A_590 = tpu.memref_slice %arg4[%dma_start3A_573, %dma_start3A_588, %dma_start3A_589] : memref<2x312x128xf32, #tpu.memory_space<vmem>> -> memref<1x312x128xf32, #tpu.memory_space<vmem>>
    %dma_start3A_591 = tpu.memref_squeeze %dma_start3A_590 : memref<1x312x128xf32, #tpu.memory_space<vmem>> -> memref<312x128xf32, #tpu.memory_space<vmem>>
    tpu.enqueue_dma source(%dma_start3A_591 : memref<312x128xf32, #tpu.memory_space<vmem>>) target(%dma_start3A_587 : memref<312x128xf32, #tpu.memory_space<hbm>>) target_semaphore(%dma_start3A_584 : memref<!tpu.dma_semaphore, #tpu.memory_space<semaphore_mem>>)
    %dma_wait3A_592 = arith.constant 1 : i32
    %dma_wait3A_593 = arith.constant 0 : i32
    %dma_wait3A_594 = arith.constant 1 : i32
    %dma_wait3A_595 = arith.constant 0 : i32
    %dma_wait3A_596 = arith.constant 0 : i32
    %dma_wait3A_597 = tpu.memref_slice %arg4[%dma_wait3A_592, %dma_wait3A_595, %dma_wait3A_596] : memref<2x312x128xf32, #tpu.memory_space<vmem>> -> memref<1x312x128xf32, #tpu.memory_space<vmem>>
    %dma_wait3A_598 = tpu.memref_squeeze %dma_wait3A_597 : memref<1x312x128xf32, #tpu.memory_space<vmem>> -> memref<312x128xf32, #tpu.memory_space<vmem>>
    %dma_wait3A_599 = arith.constant 0 : i32
    %dma_wait3A_600 = tpu.memref_slice %arg3[%dma_wait3A_593, %add3A_572, %dma_wait3A_599] : memref<1x100000x128xf32, #tpu.memory_space<hbm>> -> memref<1x312x128xf32, #tpu.memory_space<hbm>>
    %dma_wait3A_601 = tpu.memref_squeeze %dma_wait3A_600 : memref<1x312x128xf32, #tpu.memory_space<hbm>> -> memref<312x128xf32, #tpu.memory_space<hbm>>
    %dma_wait3A_602 = tpu.memref_slice %arg6[%dma_wait3A_594] : memref<2x!tpu.dma_semaphore, #tpu.memory_space<semaphore_mem>> -> memref<1x!tpu.dma_semaphore, #tpu.memory_space<semaphore_mem>>
    %dma_wait3A_603 = tpu.memref_squeeze %dma_wait3A_602 : memref<1x!tpu.dma_semaphore, #tpu.memory_space<semaphore_mem>> -> memref<!tpu.dma_semaphore, #tpu.memory_space<semaphore_mem>>
    %dma_wait3A_604 = arith.constant 0 : i32
    %dma_wait3A_605 = tpu.memref_slice %arg3[%dma_wait3A_593, %add3A_572, %dma_wait3A_604] : memref<1x100000x128xf32, #tpu.memory_space<hbm>> -> memref<1x312x128xf32, #tpu.memory_space<hbm>>
    %dma_wait3A_606 = tpu.memref_squeeze %dma_wait3A_605 : memref<1x312x128xf32, #tpu.memory_space<hbm>> -> memref<312x128xf32, #tpu.memory_space<hbm>>
    %dma_wait3A_607 = arith.constant 0 : i32
    %dma_wait3A_608 = arith.constant 0 : i32
    %dma_wait3A_609 = tpu.memref_slice %arg4[%dma_wait3A_592, %dma_wait3A_607, %dma_wait3A_608] : memref<2x312x128xf32, #tpu.memory_space<vmem>> -> memref<1x312x128xf32, #tpu.memory_space<vmem>>
    %dma_wait3A_610 = tpu.memref_squeeze %dma_wait3A_609 : memref<1x312x128xf32, #tpu.memory_space<vmem>> -> memref<312x128xf32, #tpu.memory_space<vmem>>
    tpu.wait_dma2 semaphore(%dma_wait3A_603 : memref<!tpu.dma_semaphore, #tpu.memory_space<semaphore_mem>>) src(%dma_wait3A_610 : memref<312x128xf32, #tpu.memory_space<vmem>>) dst(%dma_wait3A_606 : memref<312x128xf32, #tpu.memory_space<hbm>>)
    %add3A_611 = arith.constant 2808 : i32
    %add3A_612 = arith.addi %mul3A_2, %add3A_611 : i32
    %dma_start3A_613 = arith.constant 1 : i32
    %dma_start3A_614 = arith.constant 1 : i32
    %dma_start3A_615 = arith.constant 0 : i32
    %dma_start3A_616 = arith.constant 0 : i32
    %dma_start3A_617 = tpu.memref_slice %arg4[%dma_start3A_613, %dma_start3A_615, %dma_start3A_616] : memref<2x312x128xf32, #tpu.memory_space<vmem>> -> memref<1x312x128xf32, #tpu.memory_space<vmem>>
    %dma_start3A_618 = tpu.memref_squeeze %dma_start3A_617 : memref<1x312x128xf32, #tpu.memory_space<vmem>> -> memref<312x128xf32, #tpu.memory_space<vmem>>
    %dma_start3A_619 = arith.constant 0 : i32
    %dma_start3A_620 = tpu.memref_slice %arg2[%add3A_612, %dma_start3A_619] : memref<100000x128xf32, #tpu.memory_space<hbm>> -> memref<312x128xf32, #tpu.memory_space<hbm>>
    %dma_start3A_621 = tpu.memref_slice %arg5[%dma_start3A_614] : memref<2x!tpu.dma_semaphore, #tpu.memory_space<semaphore_mem>> -> memref<1x!tpu.dma_semaphore, #tpu.memory_space<semaphore_mem>>
    %dma_start3A_622 = tpu.memref_squeeze %dma_start3A_621 : memref<1x!tpu.dma_semaphore, #tpu.memory_space<semaphore_mem>> -> memref<!tpu.dma_semaphore, #tpu.memory_space<semaphore_mem>>
    %dma_start3A_623 = arith.constant 0 : i32
    %dma_start3A_624 = arith.constant 0 : i32
    %dma_start3A_625 = tpu.memref_slice %arg4[%dma_start3A_613, %dma_start3A_623, %dma_start3A_624] : memref<2x312x128xf32, #tpu.memory_space<vmem>> -> memref<1x312x128xf32, #tpu.memory_space<vmem>>
    %dma_start3A_626 = tpu.memref_squeeze %dma_start3A_625 : memref<1x312x128xf32, #tpu.memory_space<vmem>> -> memref<312x128xf32, #tpu.memory_space<vmem>>
    %dma_start3A_627 = arith.constant 0 : i32
    %dma_start3A_628 = tpu.memref_slice %arg2[%add3A_612, %dma_start3A_627] : memref<100000x128xf32, #tpu.memory_space<hbm>> -> memref<312x128xf32, #tpu.memory_space<hbm>>
    tpu.enqueue_dma source(%dma_start3A_628 : memref<312x128xf32, #tpu.memory_space<hbm>>) target(%dma_start3A_626 : memref<312x128xf32, #tpu.memory_space<vmem>>) target_semaphore(%dma_start3A_622 : memref<!tpu.dma_semaphore, #tpu.memory_space<semaphore_mem>>)
    %dma_wait3A_629 = arith.constant 0 : i32
    %dma_wait3A_630 = arith.constant 0 : i32
    %dma_wait3A_631 = arith.constant 0 : i32
    %dma_wait3A_632 = arith.constant 0 : i32
    %dma_wait3A_633 = tpu.memref_slice %arg4[%dma_wait3A_629, %dma_wait3A_631, %dma_wait3A_632] : memref<2x312x128xf32, #tpu.memory_space<vmem>> -> memref<1x312x128xf32, #tpu.memory_space<vmem>>
    %dma_wait3A_634 = tpu.memref_squeeze %dma_wait3A_633 : memref<1x312x128xf32, #tpu.memory_space<vmem>> -> memref<312x128xf32, #tpu.memory_space<vmem>>
    %dma_wait3A_635 = arith.constant 0 : i32
    %dma_wait3A_636 = tpu.memref_slice %arg2[%add3A_538, %dma_wait3A_635] : memref<100000x128xf32, #tpu.memory_space<hbm>> -> memref<312x128xf32, #tpu.memory_space<hbm>>
    %dma_wait3A_637 = tpu.memref_slice %arg5[%dma_wait3A_630] : memref<2x!tpu.dma_semaphore, #tpu.memory_space<semaphore_mem>> -> memref<1x!tpu.dma_semaphore, #tpu.memory_space<semaphore_mem>>
    %dma_wait3A_638 = tpu.memref_squeeze %dma_wait3A_637 : memref<1x!tpu.dma_semaphore, #tpu.memory_space<semaphore_mem>> -> memref<!tpu.dma_semaphore, #tpu.memory_space<semaphore_mem>>
    %dma_wait3A_639 = arith.constant 0 : i32
    %dma_wait3A_640 = arith.constant 0 : i32
    %dma_wait3A_641 = tpu.memref_slice %arg4[%dma_wait3A_629, %dma_wait3A_639, %dma_wait3A_640] : memref<2x312x128xf32, #tpu.memory_space<vmem>> -> memref<1x312x128xf32, #tpu.memory_space<vmem>>
    %dma_wait3A_642 = tpu.memref_squeeze %dma_wait3A_641 : memref<1x312x128xf32, #tpu.memory_space<vmem>> -> memref<312x128xf32, #tpu.memory_space<vmem>>
    %dma_wait3A_643 = arith.constant 0 : i32
    %dma_wait3A_644 = tpu.memref_slice %arg2[%add3A_538, %dma_wait3A_643] : memref<100000x128xf32, #tpu.memory_space<hbm>> -> memref<312x128xf32, #tpu.memory_space<hbm>>
    tpu.wait_dma2 semaphore(%dma_wait3A_638 : memref<!tpu.dma_semaphore, #tpu.memory_space<semaphore_mem>>) src(%dma_wait3A_644 : memref<312x128xf32, #tpu.memory_space<hbm>>) dst(%dma_wait3A_642 : memref<312x128xf32, #tpu.memory_space<vmem>>)
    %add3A_645 = arith.constant 2496 : i32
    %add3A_646 = arith.addi %mul3A_2, %add3A_645 : i32
    %dma_start3A_647 = arith.constant 0 : i32
    %dma_start3A_648 = arith.constant 0 : i32
    %dma_start3A_649 = arith.constant 0 : i32
    %dma_start3A_650 = arith.constant 0 : i32
    %dma_start3A_651 = arith.constant 0 : i32
    %dma_start3A_652 = tpu.memref_slice %arg4[%dma_start3A_647, %dma_start3A_650, %dma_start3A_651] : memref<2x312x128xf32, #tpu.memory_space<vmem>> -> memref<1x312x128xf32, #tpu.memory_space<vmem>>
    %dma_start3A_653 = tpu.memref_squeeze %dma_start3A_652 : memref<1x312x128xf32, #tpu.memory_space<vmem>> -> memref<312x128xf32, #tpu.memory_space<vmem>>
    %dma_start3A_654 = arith.constant 0 : i32
    %dma_start3A_655 = tpu.memref_slice %arg3[%dma_start3A_648, %add3A_646, %dma_start3A_654] : memref<1x100000x128xf32, #tpu.memory_space<hbm>> -> memref<1x312x128xf32, #tpu.memory_space<hbm>>
    %dma_start3A_656 = tpu.memref_squeeze %dma_start3A_655 : memref<1x312x128xf32, #tpu.memory_space<hbm>> -> memref<312x128xf32, #tpu.memory_space<hbm>>
    %dma_start3A_657 = tpu.memref_slice %arg6[%dma_start3A_649] : memref<2x!tpu.dma_semaphore, #tpu.memory_space<semaphore_mem>> -> memref<1x!tpu.dma_semaphore, #tpu.memory_space<semaphore_mem>>
    %dma_start3A_658 = tpu.memref_squeeze %dma_start3A_657 : memref<1x!tpu.dma_semaphore, #tpu.memory_space<semaphore_mem>> -> memref<!tpu.dma_semaphore, #tpu.memory_space<semaphore_mem>>
    %dma_start3A_659 = arith.constant 0 : i32
    %dma_start3A_660 = tpu.memref_slice %arg3[%dma_start3A_648, %add3A_646, %dma_start3A_659] : memref<1x100000x128xf32, #tpu.memory_space<hbm>> -> memref<1x312x128xf32, #tpu.memory_space<hbm>>
    %dma_start3A_661 = tpu.memref_squeeze %dma_start3A_660 : memref<1x312x128xf32, #tpu.memory_space<hbm>> -> memref<312x128xf32, #tpu.memory_space<hbm>>
    %dma_start3A_662 = arith.constant 0 : i32
    %dma_start3A_663 = arith.constant 0 : i32
    %dma_start3A_664 = tpu.memref_slice %arg4[%dma_start3A_647, %dma_start3A_662, %dma_start3A_663] : memref<2x312x128xf32, #tpu.memory_space<vmem>> -> memref<1x312x128xf32, #tpu.memory_space<vmem>>
    %dma_start3A_665 = tpu.memref_squeeze %dma_start3A_664 : memref<1x312x128xf32, #tpu.memory_space<vmem>> -> memref<312x128xf32, #tpu.memory_space<vmem>>
    tpu.enqueue_dma source(%dma_start3A_665 : memref<312x128xf32, #tpu.memory_space<vmem>>) target(%dma_start3A_661 : memref<312x128xf32, #tpu.memory_space<hbm>>) target_semaphore(%dma_start3A_658 : memref<!tpu.dma_semaphore, #tpu.memory_space<semaphore_mem>>)
    %dma_wait3A_666 = arith.constant 1 : i32
    %dma_wait3A_667 = arith.constant 1 : i32
    %dma_wait3A_668 = arith.constant 0 : i32
    %dma_wait3A_669 = arith.constant 0 : i32
    %dma_wait3A_670 = tpu.memref_slice %arg4[%dma_wait3A_666, %dma_wait3A_668, %dma_wait3A_669] : memref<2x312x128xf32, #tpu.memory_space<vmem>> -> memref<1x312x128xf32, #tpu.memory_space<vmem>>
    %dma_wait3A_671 = tpu.memref_squeeze %dma_wait3A_670 : memref<1x312x128xf32, #tpu.memory_space<vmem>> -> memref<312x128xf32, #tpu.memory_space<vmem>>
    %dma_wait3A_672 = arith.constant 0 : i32
    %dma_wait3A_673 = tpu.memref_slice %arg2[%add3A_612, %dma_wait3A_672] : memref<100000x128xf32, #tpu.memory_space<hbm>> -> memref<312x128xf32, #tpu.memory_space<hbm>>
    %dma_wait3A_674 = tpu.memref_slice %arg5[%dma_wait3A_667] : memref<2x!tpu.dma_semaphore, #tpu.memory_space<semaphore_mem>> -> memref<1x!tpu.dma_semaphore, #tpu.memory_space<semaphore_mem>>
    %dma_wait3A_675 = tpu.memref_squeeze %dma_wait3A_674 : memref<1x!tpu.dma_semaphore, #tpu.memory_space<semaphore_mem>> -> memref<!tpu.dma_semaphore, #tpu.memory_space<semaphore_mem>>
    %dma_wait3A_676 = arith.constant 0 : i32
    %dma_wait3A_677 = arith.constant 0 : i32
    %dma_wait3A_678 = tpu.memref_slice %arg4[%dma_wait3A_666, %dma_wait3A_676, %dma_wait3A_677] : memref<2x312x128xf32, #tpu.memory_space<vmem>> -> memref<1x312x128xf32, #tpu.memory_space<vmem>>
    %dma_wait3A_679 = tpu.memref_squeeze %dma_wait3A_678 : memref<1x312x128xf32, #tpu.memory_space<vmem>> -> memref<312x128xf32, #tpu.memory_space<vmem>>
    %dma_wait3A_680 = arith.constant 0 : i32
    %dma_wait3A_681 = tpu.memref_slice %arg2[%add3A_612, %dma_wait3A_680] : memref<100000x128xf32, #tpu.memory_space<hbm>> -> memref<312x128xf32, #tpu.memory_space<hbm>>
    tpu.wait_dma2 semaphore(%dma_wait3A_675 : memref<!tpu.dma_semaphore, #tpu.memory_space<semaphore_mem>>) src(%dma_wait3A_681 : memref<312x128xf32, #tpu.memory_space<hbm>>) dst(%dma_wait3A_679 : memref<312x128xf32, #tpu.memory_space<vmem>>)
    %add3A_682 = arith.constant 2808 : i32
    %add3A_683 = arith.addi %mul3A_2, %add3A_682 : i32
    %dma_start3A_684 = arith.constant 1 : i32
    %dma_start3A_685 = arith.constant 0 : i32
    %dma_start3A_686 = arith.constant 1 : i32
    %dma_start3A_687 = arith.constant 0 : i32
    %dma_start3A_688 = arith.constant 0 : i32
    %dma_start3A_689 = tpu.memref_slice %arg4[%dma_start3A_684, %dma_start3A_687, %dma_start3A_688] : memref<2x312x128xf32, #tpu.memory_space<vmem>> -> memref<1x312x128xf32, #tpu.memory_space<vmem>>
    %dma_start3A_690 = tpu.memref_squeeze %dma_start3A_689 : memref<1x312x128xf32, #tpu.memory_space<vmem>> -> memref<312x128xf32, #tpu.memory_space<vmem>>
    %dma_start3A_691 = arith.constant 0 : i32
    %dma_start3A_692 = tpu.memref_slice %arg3[%dma_start3A_685, %add3A_683, %dma_start3A_691] : memref<1x100000x128xf32, #tpu.memory_space<hbm>> -> memref<1x312x128xf32, #tpu.memory_space<hbm>>
    %dma_start3A_693 = tpu.memref_squeeze %dma_start3A_692 : memref<1x312x128xf32, #tpu.memory_space<hbm>> -> memref<312x128xf32, #tpu.memory_space<hbm>>
    %dma_start3A_694 = tpu.memref_slice %arg6[%dma_start3A_686] : memref<2x!tpu.dma_semaphore, #tpu.memory_space<semaphore_mem>> -> memref<1x!tpu.dma_semaphore, #tpu.memory_space<semaphore_mem>>
    %dma_start3A_695 = tpu.memref_squeeze %dma_start3A_694 : memref<1x!tpu.dma_semaphore, #tpu.memory_space<semaphore_mem>> -> memref<!tpu.dma_semaphore, #tpu.memory_space<semaphore_mem>>
    %dma_start3A_696 = arith.constant 0 : i32
    %dma_start3A_697 = tpu.memref_slice %arg3[%dma_start3A_685, %add3A_683, %dma_start3A_696] : memref<1x100000x128xf32, #tpu.memory_space<hbm>> -> memref<1x312x128xf32, #tpu.memory_space<hbm>>
    %dma_start3A_698 = tpu.memref_squeeze %dma_start3A_697 : memref<1x312x128xf32, #tpu.memory_space<hbm>> -> memref<312x128xf32, #tpu.memory_space<hbm>>
    %dma_start3A_699 = arith.constant 0 : i32
    %dma_start3A_700 = arith.constant 0 : i32
    %dma_start3A_701 = tpu.memref_slice %arg4[%dma_start3A_684, %dma_start3A_699, %dma_start3A_700] : memref<2x312x128xf32, #tpu.memory_space<vmem>> -> memref<1x312x128xf32, #tpu.memory_space<vmem>>
    %dma_start3A_702 = tpu.memref_squeeze %dma_start3A_701 : memref<1x312x128xf32, #tpu.memory_space<vmem>> -> memref<312x128xf32, #tpu.memory_space<vmem>>
    tpu.enqueue_dma source(%dma_start3A_702 : memref<312x128xf32, #tpu.memory_space<vmem>>) target(%dma_start3A_698 : memref<312x128xf32, #tpu.memory_space<hbm>>) target_semaphore(%dma_start3A_695 : memref<!tpu.dma_semaphore, #tpu.memory_space<semaphore_mem>>)
    %dma_wait3A_703 = arith.constant 0 : i32
    %dma_wait3A_704 = arith.constant 0 : i32
    %dma_wait3A_705 = arith.constant 0 : i32
    %dma_wait3A_706 = arith.constant 0 : i32
    %dma_wait3A_707 = arith.constant 0 : i32
    %dma_wait3A_708 = tpu.memref_slice %arg4[%dma_wait3A_703, %dma_wait3A_706, %dma_wait3A_707] : memref<2x312x128xf32, #tpu.memory_space<vmem>> -> memref<1x312x128xf32, #tpu.memory_space<vmem>>
    %dma_wait3A_709 = tpu.memref_squeeze %dma_wait3A_708 : memref<1x312x128xf32, #tpu.memory_space<vmem>> -> memref<312x128xf32, #tpu.memory_space<vmem>>
    %dma_wait3A_710 = arith.constant 0 : i32
    %dma_wait3A_711 = tpu.memref_slice %arg3[%dma_wait3A_704, %add3A_646, %dma_wait3A_710] : memref<1x100000x128xf32, #tpu.memory_space<hbm>> -> memref<1x312x128xf32, #tpu.memory_space<hbm>>
    %dma_wait3A_712 = tpu.memref_squeeze %dma_wait3A_711 : memref<1x312x128xf32, #tpu.memory_space<hbm>> -> memref<312x128xf32, #tpu.memory_space<hbm>>
    %dma_wait3A_713 = tpu.memref_slice %arg6[%dma_wait3A_705] : memref<2x!tpu.dma_semaphore, #tpu.memory_space<semaphore_mem>> -> memref<1x!tpu.dma_semaphore, #tpu.memory_space<semaphore_mem>>
    %dma_wait3A_714 = tpu.memref_squeeze %dma_wait3A_713 : memref<1x!tpu.dma_semaphore, #tpu.memory_space<semaphore_mem>> -> memref<!tpu.dma_semaphore, #tpu.memory_space<semaphore_mem>>
    %dma_wait3A_715 = arith.constant 0 : i32
    %dma_wait3A_716 = tpu.memref_slice %arg3[%dma_wait3A_704, %add3A_646, %dma_wait3A_715] : memref<1x100000x128xf32, #tpu.memory_space<hbm>> -> memref<1x312x128xf32, #tpu.memory_space<hbm>>
    %dma_wait3A_717 = tpu.memref_squeeze %dma_wait3A_716 : memref<1x312x128xf32, #tpu.memory_space<hbm>> -> memref<312x128xf32, #tpu.memory_space<hbm>>
    %dma_wait3A_718 = arith.constant 0 : i32
    %dma_wait3A_719 = arith.constant 0 : i32
    %dma_wait3A_720 = tpu.memref_slice %arg4[%dma_wait3A_703, %dma_wait3A_718, %dma_wait3A_719] : memref<2x312x128xf32, #tpu.memory_space<vmem>> -> memref<1x312x128xf32, #tpu.memory_space<vmem>>
    %dma_wait3A_721 = tpu.memref_squeeze %dma_wait3A_720 : memref<1x312x128xf32, #tpu.memory_space<vmem>> -> memref<312x128xf32, #tpu.memory_space<vmem>>
    tpu.wait_dma2 semaphore(%dma_wait3A_714 : memref<!tpu.dma_semaphore, #tpu.memory_space<semaphore_mem>>) src(%dma_wait3A_721 : memref<312x128xf32, #tpu.memory_space<vmem>>) dst(%dma_wait3A_717 : memref<312x128xf32, #tpu.memory_space<hbm>>)
    %dma_wait3A_722 = arith.constant 1 : i32
    %dma_wait3A_723 = arith.constant 0 : i32
    %dma_wait3A_724 = arith.constant 1 : i32
    %dma_wait3A_725 = arith.constant 0 : i32
    %dma_wait3A_726 = arith.constant 0 : i32
    %dma_wait3A_727 = tpu.memref_slice %arg4[%dma_wait3A_722, %dma_wait3A_725, %dma_wait3A_726] : memref<2x312x128xf32, #tpu.memory_space<vmem>> -> memref<1x312x128xf32, #tpu.memory_space<vmem>>
    %dma_wait3A_728 = tpu.memref_squeeze %dma_wait3A_727 : memref<1x312x128xf32, #tpu.memory_space<vmem>> -> memref<312x128xf32, #tpu.memory_space<vmem>>
    %dma_wait3A_729 = arith.constant 0 : i32
    %dma_wait3A_730 = tpu.memref_slice %arg3[%dma_wait3A_723, %add3A_683, %dma_wait3A_729] : memref<1x100000x128xf32, #tpu.memory_space<hbm>> -> memref<1x312x128xf32, #tpu.memory_space<hbm>>
    %dma_wait3A_731 = tpu.memref_squeeze %dma_wait3A_730 : memref<1x312x128xf32, #tpu.memory_space<hbm>> -> memref<312x128xf32, #tpu.memory_space<hbm>>
    %dma_wait3A_732 = tpu.memref_slice %arg6[%dma_wait3A_724] : memref<2x!tpu.dma_semaphore, #tpu.memory_space<semaphore_mem>> -> memref<1x!tpu.dma_semaphore, #tpu.memory_space<semaphore_mem>>
    %dma_wait3A_733 = tpu.memref_squeeze %dma_wait3A_732 : memref<1x!tpu.dma_semaphore, #tpu.memory_space<semaphore_mem>> -> memref<!tpu.dma_semaphore, #tpu.memory_space<semaphore_mem>>
    %dma_wait3A_734 = arith.constant 0 : i32
    %dma_wait3A_735 = tpu.memref_slice %arg3[%dma_wait3A_723, %add3A_683, %dma_wait3A_734] : memref<1x100000x128xf32, #tpu.memory_space<hbm>> -> memref<1x312x128xf32, #tpu.memory_space<hbm>>
    %dma_wait3A_736 = tpu.memref_squeeze %dma_wait3A_735 : memref<1x312x128xf32, #tpu.memory_space<hbm>> -> memref<312x128xf32, #tpu.memory_space<hbm>>
    %dma_wait3A_737 = arith.constant 0 : i32
    %dma_wait3A_738 = arith.constant 0 : i32
    %dma_wait3A_739 = tpu.memref_slice %arg4[%dma_wait3A_722, %dma_wait3A_737, %dma_wait3A_738] : memref<2x312x128xf32, #tpu.memory_space<vmem>> -> memref<1x312x128xf32, #tpu.memory_space<vmem>>
    %dma_wait3A_740 = tpu.memref_squeeze %dma_wait3A_739 : memref<1x312x128xf32, #tpu.memory_space<vmem>> -> memref<312x128xf32, #tpu.memory_space<vmem>>
    tpu.wait_dma2 semaphore(%dma_wait3A_733 : memref<!tpu.dma_semaphore, #tpu.memory_space<semaphore_mem>>) src(%dma_wait3A_740 : memref<312x128xf32, #tpu.memory_space<vmem>>) dst(%dma_wait3A_736 : memref<312x128xf32, #tpu.memory_space<hbm>>)
    %lt3A = arith.constant 20 : i32
    %lt3A_741 = arith.cmpi slt, %add3A, %lt3A : i32
    %convert_element_type3A = arith.extui %lt3A_741 : i1 to i32
    %cond3A = arith.constant 0 : i32
    %cond3A_742 = arith.cmpi ne, %convert_element_type3A, %cond3A : i32
    scf.if %cond3A_742 {
      %mul3A_743 = arith.constant 8 : i32
      %mul3A_744 = arith.muli %add3A, %mul3A_743 : i32
      %add3A_745 = arith.constant 99840 : i32
      %add3A_746 = arith.addi %add3A_745, %mul3A_744 : i32
      %run_scoped3A = arith.constant 0 : i32
      "tpu.region"() ({
        %run_scoped3A_749 = tpu.sem_alloc : memref<!tpu.dma_semaphore, #tpu.memory_space<semaphore_mem>>
        %dma_start3A_750 = arith.constant 0 : i32
        %dma_start3A_751 = arith.constant 0 : i32
        %dma_start3A_752 = tpu.memref_slice %arg4[%run_scoped3A, %dma_start3A_750, %dma_start3A_751] : memref<2x312x128xf32, #tpu.memory_space<vmem>> -> memref<1x8x128xf32, #tpu.memory_space<vmem>>
        %dma_start3A_753 = tpu.memref_squeeze %dma_start3A_752 : memref<1x8x128xf32, #tpu.memory_space<vmem>> -> memref<8x128xf32, #tpu.memory_space<vmem>>
        %dma_start3A_754 = arith.constant 0 : i32
        %dma_start3A_755 = tpu.memref_slice %arg2[%add3A_746, %dma_start3A_754] : memref<100000x128xf32, #tpu.memory_space<hbm>> -> memref<8x128xf32, #tpu.memory_space<hbm>>
        %dma_start3A_756 = arith.constant 0 : i32
        %dma_start3A_757 = arith.constant 0 : i32
        %dma_start3A_758 = tpu.memref_slice %arg4[%run_scoped3A, %dma_start3A_756, %dma_start3A_757] : memref<2x312x128xf32, #tpu.memory_space<vmem>> -> memref<1x8x128xf32, #tpu.memory_space<vmem>>
        %dma_start3A_759 = tpu.memref_squeeze %dma_start3A_758 : memref<1x8x128xf32, #tpu.memory_space<vmem>> -> memref<8x128xf32, #tpu.memory_space<vmem>>
        %dma_start3A_760 = arith.constant 0 : i32
        %dma_start3A_761 = tpu.memref_slice %arg2[%add3A_746, %dma_start3A_760] : memref<100000x128xf32, #tpu.memory_space<hbm>> -> memref<8x128xf32, #tpu.memory_space<hbm>>
        tpu.enqueue_dma source(%dma_start3A_761 : memref<8x128xf32, #tpu.memory_space<hbm>>) target(%dma_start3A_759 : memref<8x128xf32, #tpu.memory_space<vmem>>) target_semaphore(%run_scoped3A_749 : memref<!tpu.dma_semaphore, #tpu.memory_space<semaphore_mem>>)
        %dma_wait3A_762 = arith.constant 0 : i32
        %dma_wait3A_763 = arith.constant 0 : i32
        %dma_wait3A_764 = tpu.memref_slice %arg4[%run_scoped3A, %dma_wait3A_762, %dma_wait3A_763] : memref<2x312x128xf32, #tpu.memory_space<vmem>> -> memref<1x8x128xf32, #tpu.memory_space<vmem>>
        %dma_wait3A_765 = tpu.memref_squeeze %dma_wait3A_764 : memref<1x8x128xf32, #tpu.memory_space<vmem>> -> memref<8x128xf32, #tpu.memory_space<vmem>>
        %dma_wait3A_766 = arith.constant 0 : i32
        %dma_wait3A_767 = tpu.memref_slice %arg2[%add3A_746, %dma_wait3A_766] : memref<100000x128xf32, #tpu.memory_space<hbm>> -> memref<8x128xf32, #tpu.memory_space<hbm>>
        %dma_wait3A_768 = arith.constant 0 : i32
        %dma_wait3A_769 = arith.constant 0 : i32
        %dma_wait3A_770 = tpu.memref_slice %arg4[%run_scoped3A, %dma_wait3A_768, %dma_wait3A_769] : memref<2x312x128xf32, #tpu.memory_space<vmem>> -> memref<1x8x128xf32, #tpu.memory_space<vmem>>
        %dma_wait3A_771 = tpu.memref_squeeze %dma_wait3A_770 : memref<1x8x128xf32, #tpu.memory_space<vmem>> -> memref<8x128xf32, #tpu.memory_space<vmem>>
        %dma_wait3A_772 = arith.constant 0 : i32
        %dma_wait3A_773 = tpu.memref_slice %arg2[%add3A_746, %dma_wait3A_772] : memref<100000x128xf32, #tpu.memory_space<hbm>> -> memref<8x128xf32, #tpu.memory_space<hbm>>
        tpu.wait_dma2 semaphore(%run_scoped3A_749 : memref<!tpu.dma_semaphore, #tpu.memory_space<semaphore_mem>>) src(%dma_wait3A_773 : memref<8x128xf32, #tpu.memory_space<hbm>>) dst(%dma_wait3A_771 : memref<8x128xf32, #tpu.memory_space<vmem>>)
        tpu.yield
      }) : () -> ()
      %run_scoped3A_747 = arith.constant 0 : i32
      %run_scoped3A_748 = arith.constant 0 : i32
      "tpu.region"() ({
        %run_scoped3A_749 = tpu.sem_alloc : memref<!tpu.dma_semaphore, #tpu.memory_space<semaphore_mem>>
        %dma_start3A_750 = arith.constant 0 : i32
        %dma_start3A_751 = arith.constant 0 : i32
        %dma_start3A_752 = tpu.memref_slice %arg4[%run_scoped3A_747, %dma_start3A_750, %dma_start3A_751] : memref<2x312x128xf32, #tpu.memory_space<vmem>> -> memref<1x8x128xf32, #tpu.memory_space<vmem>>
        %dma_start3A_753 = tpu.memref_squeeze %dma_start3A_752 : memref<1x8x128xf32, #tpu.memory_space<vmem>> -> memref<8x128xf32, #tpu.memory_space<vmem>>
        %dma_start3A_754 = arith.constant 0 : i32
        %dma_start3A_755 = tpu.memref_slice %arg3[%run_scoped3A_748, %add3A_746, %dma_start3A_754] : memref<1x100000x128xf32, #tpu.memory_space<hbm>> -> memref<1x8x128xf32, #tpu.memory_space<hbm>>
        %dma_start3A_756 = tpu.memref_squeeze %dma_start3A_755 : memref<1x8x128xf32, #tpu.memory_space<hbm>> -> memref<8x128xf32, #tpu.memory_space<hbm>>
        %dma_start3A_757 = arith.constant 0 : i32
        %dma_start3A_758 = tpu.memref_slice %arg3[%run_scoped3A_748, %add3A_746, %dma_start3A_757] : memref<1x100000x128xf32, #tpu.memory_space<hbm>> -> memref<1x8x128xf32, #tpu.memory_space<hbm>>
        %dma_start3A_759 = tpu.memref_squeeze %dma_start3A_758 : memref<1x8x128xf32, #tpu.memory_space<hbm>> -> memref<8x128xf32, #tpu.memory_space<hbm>>
        %dma_start3A_760 = arith.constant 0 : i32
        %dma_start3A_761 = arith.constant 0 : i32
        %dma_start3A_762 = tpu.memref_slice %arg4[%run_scoped3A_747, %dma_start3A_760, %dma_start3A_761] : memref<2x312x128xf32, #tpu.memory_space<vmem>> -> memref<1x8x128xf32, #tpu.memory_space<vmem>>
        %dma_start3A_763 = tpu.memref_squeeze %dma_start3A_762 : memref<1x8x128xf32, #tpu.memory_space<vmem>> -> memref<8x128xf32, #tpu.memory_space<vmem>>
        tpu.enqueue_dma source(%dma_start3A_763 : memref<8x128xf32, #tpu.memory_space<vmem>>) target(%dma_start3A_759 : memref<8x128xf32, #tpu.memory_space<hbm>>) target_semaphore(%run_scoped3A_749 : memref<!tpu.dma_semaphore, #tpu.memory_space<semaphore_mem>>)
        %dma_wait3A_764 = arith.constant 0 : i32
        %dma_wait3A_765 = arith.constant 0 : i32
        %dma_wait3A_766 = tpu.memref_slice %arg4[%run_scoped3A_747, %dma_wait3A_764, %dma_wait3A_765] : memref<2x312x128xf32, #tpu.memory_space<vmem>> -> memref<1x8x128xf32, #tpu.memory_space<vmem>>
        %dma_wait3A_767 = tpu.memref_squeeze %dma_wait3A_766 : memref<1x8x128xf32, #tpu.memory_space<vmem>> -> memref<8x128xf32, #tpu.memory_space<vmem>>
        %dma_wait3A_768 = arith.constant 0 : i32
        %dma_wait3A_769 = tpu.memref_slice %arg3[%run_scoped3A_748, %add3A_746, %dma_wait3A_768] : memref<1x100000x128xf32, #tpu.memory_space<hbm>> -> memref<1x8x128xf32, #tpu.memory_space<hbm>>
        %dma_wait3A_770 = tpu.memref_squeeze %dma_wait3A_769 : memref<1x8x128xf32, #tpu.memory_space<hbm>> -> memref<8x128xf32, #tpu.memory_space<hbm>>
        %dma_wait3A_771 = arith.constant 0 : i32
        %dma_wait3A_772 = tpu.memref_slice %arg3[%run_scoped3A_748, %add3A_746, %dma_wait3A_771] : memref<1x100000x128xf32, #tpu.memory_space<hbm>> -> memref<1x8x128xf32, #tpu.memory_space<hbm>>
        %dma_wait3A_773 = tpu.memref_squeeze %dma_wait3A_772 : memref<1x8x128xf32, #tpu.memory_space<hbm>> -> memref<8x128xf32, #tpu.memory_space<hbm>>
        %dma_wait3A_774 = arith.constant 0 : i32
        %dma_wait3A_775 = arith.constant 0 : i32
        %dma_wait3A_776 = tpu.memref_slice %arg4[%run_scoped3A_747, %dma_wait3A_774, %dma_wait3A_775] : memref<2x312x128xf32, #tpu.memory_space<vmem>> -> memref<1x8x128xf32, #tpu.memory_space<vmem>>
        %dma_wait3A_777 = tpu.memref_squeeze %dma_wait3A_776 : memref<1x8x128xf32, #tpu.memory_space<vmem>> -> memref<8x128xf32, #tpu.memory_space<vmem>>
        tpu.wait_dma2 semaphore(%run_scoped3A_749 : memref<!tpu.dma_semaphore, #tpu.memory_space<semaphore_mem>>) src(%dma_wait3A_777 : memref<8x128xf32, #tpu.memory_space<vmem>>) dst(%dma_wait3A_773 : memref<8x128xf32, #tpu.memory_space<hbm>>)
        tpu.yield
      }) : () -> ()
    } else {
    }
    return
  }
}

</mosaic_0001>

<sc_bundles>
// kernel: kernel.3.cloned.1.call-start
scs
__scs_entry_jumppad:
0x0: {  	(pc) =	sbr.rel $0x88, $3  }
0x1: {  	(tag) =	ssettag $0x0;
	lr =	simm.s32 $0x1  }
0x2: {  	[smem:$0x3FA0] =	sst lr;
	_ =	strace $0xD0000000  }
0x3: {  	_ = 	snop  }
0x4: {  	_ = 	snop  }
0x5: {  	_ = 	snop  }
0x6: {  	_ = 	snop  }
0x7: {  	_ = 	snop  }
__scs_overlays_trampoline_lowered:
0x8: {  	[smem:$0x3FAF] =	sst s0  }
0x9: {  	[smem:$0x3FB0] =	sst s1  }
0xa: {  	[smem:$0x3FB1] =	sst s2  }
0xb: {  	[smem:$0x3FB2] =	sst s3  }
0xc: {  	[smem:$0x3FB3] =	sst s4  }
0xd: {  	[smem:$0x3FB4] =	sst s5  }
0xe: {  	[smem:$0x3FB5] =	sst s6  }
0xf: {  	[smem:$0x3FB6] =	sst s7  }
0x10: {  	[smem:$0x3FB7] =	sst s8  }
0x11: {  	[smem:$0x3FB8] =	sst s9;
	s0 =	simm.s32 @!p0 $0x0  }
0x12: {  	s1 =	sld [smem:$0x3F9E];
	s0 =	simm.s32 @p0 $0x1  }
0x13: {  	[smem:$0x3FB9] =	sst s0;
	s0 =	simm.s32 @!p1 $0x0  }
0x14: {  	s2 =	sld [smem:$0x3F9D];
	s0 =	simm.s32 @p1 $0x1  }
0x15: {  	[smem:$0x3FBA] =	sst s0;
	s0 =	simm.s32 @!p2 $0x0  }
0x16: {  	s3 =	sld [smem:$0x3FDB];
	s0 =	simm.s32 @p2 $0x1  }
0x17: {  	s4 =	simm.s32 $0x1BF5;
	[smem:$0x3FBC] =	sst s0  }
0x18: {  	s0 =	sld [smem:$0x3F9F];
	_ =	swait.ge [sflag:s4], $0x0  }
0x19: {  	s7 =	sld [smem:$0x3FA0]  }
0x1a: {  	s8 =	sadd.s32 $0xFFFFE003, lr  }
0x1b: {  	s9 =	sadd.s32 $0xFFFFFEF7, lr;
	s5 =	simm.s32 $0xFFFFFFFF;
	p2 =	slt.u32 s8, $0xFFFFF086  }
0x1c: {  	p1 =	slt.u32 s9, $0xF7A;
	s5 =	simm.s32 @!p2 $0x0  }
0x1d: {  	s5 =	simm.s32 @p1 $0x1;
	p0 =	seq.s32 s7, s2  }
0x1e: {  	s7 =	smul.u32 @!p0 $0xF7A, s2;
	p2 =	seq.s32 @!p0 s5, $0x0  }
0x1f: {  	s9 =	smul.u32 $0xF7A, s1;
	s8 =	simm.s32 @!p0 $0x1BF5;
	p2 =	por !p2, p0  }
0x20: {  	[sflag:s8] =	ssyncset.s32 @!p0 $0xFFFFF086;
	s6 =	sadd.s32 @!p0 s3, s7;
	s7 =	simm.s32 @!p0 $0x108  }
0x21: {  	s3 =	sadd.s32 s3, s9;
	s6 =	sadd.s32 @!p0 $0x88, s6;
	s7 =	simm.s32 @p2 $0x1082  }
0x22: {  	[simem:s7], [sflag:s8] =	dma.local @!p0 [hbm:s6], $0xF7A  }
0x23: {  	s9 =	sor.u32 $0xD0000000, s2;
	s6 =	simm.s32 $0x108;
	_ =	swait.ge @!p0 [sflag:s8], $0x0  }
0x24: {  	s3 =	sadd.s32 $0x88, s3;
	s6 =	simm.s32 @!p1 $0x1082;
	[sflag:s4] =	ssyncset.s32 $0xFFFFF086  }
0x25: {  	[simem:s6], [sflag:s4] =	dma.local [hbm:s3], $0xF7A  }
0x26: {  	[smem:$0x3FA0] =	sst s1;
	(tag) =	ssettag s2;
	_ =	strace s9  }
0x27: {  	s1 =	sld [smem:$0x3FB0]  }
0x28: {  	s2 =	sld [smem:$0x3FB1]  }
0x29: {  	s4 =	sld [smem:$0x3FB3]  }
0x2a: {  	p0 =	seq.s32 s5, $0x0;
	s5 =	sld [smem:$0x3FB4]  }
0x2b: {  	s6 =	sld [smem:$0x3FB5]  }
0x2c: {  	s7 =	sld [smem:$0x3FB6]  }
0x2d: {  	s3 =	simm.s32 $0x108;
	s8 =	sld [smem:$0x3FB7]  }
0x2e: {  	s3 =	simm.s32 @!p0 $0x1082;
	s9 =	sld [smem:$0x3FB8]  }
0x2f: {  	lr =	sadd.s32 s0, s3;
	s0 =	sld [smem:$0x3FAF]  }
0x30: {  	s3 =	sld [smem:$0x3FB2]  }
0x31: {  	[smem:$0x3FBB] =	sst s10  }
0x32: {  	s10 =	sld [smem:$0x3FB9];
	_ =	sdelay $0x3  }
0x33: {  	p0 =	seq.s32 s10, $0x1;
	s10 =	sld [smem:$0x3FBB];
	_ =	sdelay $0x3  }
0x34: {  	[smem:$0x3FBB] =	sst s10  }
0x35: {  	s10 =	sld [smem:$0x3FBA];
	_ =	sdelay $0x3  }
0x36: {  	p1 =	seq.s32 s10, $0x1;
	s10 =	sld [smem:$0x3FBB];
	_ =	sdelay $0x3  }
0x37: {  	[smem:$0x3FBB] =	sst s10  }
0x38: {  	s10 =	sld [smem:$0x3FBC]  }
0x39: {  	_ = 	snop;
	(pc) =	sbr.ind lr, $3  }
0x3a: {  	_ = 	snop  }
0x3b: {  	_ = 	snop  }
0x3c: {  	p2 =	seq.s32 s10, $0x1;
	s10 =	sld [smem:$0x3FBB]  }
0x3d: {  	_ =	shalt  }
0x3e: {  	_ =	shalt  }
0x3f: {  	_ =	shalt  }
0x40: {  	_ =	shalt  }
0x41: {  	_ =	shalt  }
0x42: {  	_ =	shalt  }
0x43: {  	_ =	shalt  }
0x44: {  	_ =	shalt  }
0x45: {  	_ =	shalt  }
0x46: {  	_ =	shalt  }
0x47: {  	_ =	shalt  }
0x48: {  	_ =	shalt  }
0x49: {  	_ =	shalt  }
0x4a: {  	_ =	shalt  }
0x4b: {  	_ =	shalt  }
0x4c: {  	_ =	shalt  }
0x4d: {  	_ =	shalt  }
0x4e: {  	_ =	shalt  }
0x4f: {  	_ =	shalt  }
0x50: {  	_ =	shalt  }
0x51: {  	_ =	shalt  }
0x52: {  	_ =	shalt  }
0x53: {  	_ =	shalt  }
0x54: {  	_ =	shalt  }
0x55: {  	_ =	shalt  }
0x56: {  	_ =	shalt  }
0x57: {  	_ =	shalt  }
0x58: {  	_ =	shalt  }
0x59: {  	_ =	shalt  }
0x5a: {  	_ =	shalt  }
0x5b: {  	_ =	shalt  }
0x5c: {  	_ =	shalt  }
0x5d: {  	_ =	shalt  }
0x5e: {  	_ =	shalt  }
0x5f: {  	_ =	shalt  }
0x60: {  	_ =	shalt  }
0x61: {  	_ =	shalt  }
0x62: {  	_ =	shalt  }
0x63: {  	_ =	shalt  }
0x64: {  	_ =	shalt  }
0x65: {  	_ =	shalt  }
0x66: {  	_ =	shalt  }
0x67: {  	_ =	shalt  }
0x68: {  	_ =	shalt  }
0x69: {  	_ =	shalt  }
0x6a: {  	_ =	shalt  }
0x6b: {  	_ =	shalt  }
0x6c: {  	_ =	shalt  }
0x6d: {  	_ =	shalt  }
0x6e: {  	_ =	shalt  }
0x6f: {  	_ =	shalt  }
0x70: {  	_ =	shalt  }
0x71: {  	_ =	shalt  }
0x72: {  	_ =	shalt  }
0x73: {  	_ =	shalt  }
0x74: {  	_ =	shalt  }
0x75: {  	_ =	shalt  }
0x76: {  	_ =	shalt  }
0x77: {  	_ =	shalt  }
0x78: {  	_ =	shalt  }
0x79: {  	_ =	shalt  }
0x7a: {  	_ =	shalt  }
0x7b: {  	_ =	shalt  }
0x7c: {  	_ =	shalt  }
0x7d: {  	_ =	shalt  }
0x7e: {  	_ =	shalt  }
0x7f: {  	_ =	shalt  }
0x80: {  	_ =	shalt  }
0x81: {  	_ =	shalt  }
0x82: {  	_ =	shalt  }
0x83: {  	_ =	shalt  }
0x84: {  	_ =	shalt  }
0x85: {  	_ =	shalt  }
0x86: {  	_ =	shalt  }
0x87: {  	_ =	shalt  }
.Lfunc_end0:
.L_simem_size_0:
called_computation_lowered:
.L_overlay_start_0:
0x88: {  	s2 =	sld [smem:$0x3FD9]  }
0x89: {  	s3 =	sld [smem:$0x3FFE];
	_ =	sdelay $0x1  }
0x8a: {  	s1 =	srdreg.scid  }
0x8b: {  	s0 =	sand.u32 $0x1, s1  }
0x8c: {  	s18 =	sshll.u32 s0, $0xA;
	s2 =	sadd.s32 s3, s2  }
0x8d: {  	s2 =	sadd.s32 s2, s18  }
0x8e: {  	[smem:$0x3FC7] =	sst s2  }
0x8f: {  	_ = 	snop  }
0x90: {  	s2 =	sld [smem:$0x3FC9]  }
0x91: {  	s19 =	sld [smem:$0x3FD0];
	(tm) =	ssettm $0x1  }
0x92: {  	s4 =	sld [smem:$0x3FFB];
	_ =	sdelay $0x3  }
0x93: {  	_ =	strace s4  }
0x94: {  	s4 =	sld [smem:$0x3FFC];
	_ =	sdelay $0x3  }
0x95: {  	_ =	strace s4  }
0x96: {  	s4 =	sld [smem:$0x3FFD];
	_ =	sdelay $0x3  }
0x97: {  	_ =	strace s4  }
0x98: {  	_ =	strace $0x8FFFFFFF  }
0x99: {  	s20 =	sld [smem:$0x3FDB];
	_ =	sdelay $0x1  }
0x9a: {  	s5 =	simm.s32 $_scs_section_size  }
0x9b: {  	s6 =	simm.s32 $_size__tile_overlayer_lowered;
	s7 =	simm.s32 $_tile_overlayer_lowered  }
0x9c: {  	s23 =	simm.s32 $0x1BFF;
	s22 =	sshll.u32 s7, $0x1;
	s4 =	sadd.s32 s5, s20  }
0x9d: {  	s8 =	simm.s32 $0x0;
	s21 =	sshll.u32 s6, $0x1;
	s6 =	sadd.s32 s22, s4  }
0x9e: {  	[timem:s8], [sflag:s23] =	dma.local [hbm:s6], s21  }
0x9f: {  	_ =	swait.ge [sflag:s23], s21  }
0xa0: {  	s5 =	ssub.s32 $0x0, s21;
	[sflag:s23] =	ssyncset.done $0x0  }
0xa1: {  	[sflag:s23] =	ssyncadd.s32 s5;
	_ =	sdelay $0x1  }
0xa2: {  	s24 =	simm.s32 $0x1B8B  }
0xa3: {  	_ =	swait.ge [sflag:s24], $0x1  }
0xa4: {  	[sflag:s24] =	ssyncset.done $0x0  }
0xa5: {  	s25 =	simm.s32 $0x1B8E;
	[sflag:s24] =	ssyncadd.s32 $0xFFFFFFFF  }
0xa6: {  	s26 =	simm.s32 $execute0_lowered;
	[smem:$0x3FD2] =	sst s25  }
0xa7: {  	s5 =	sshll.u32 s26, $0x1;
	_ =	strace $0x80000046;
	[dreg:$0x1] =	wrdreg $0xFFFFFFFF  }
0xa8: {  	s28 =	simm.s32 $_size_execute0_lowered;
	s4 =	sadd.s32 s4, s5;
	[dreg:$0x0] =	wrdreg $0x0  }
0xa9: {  	s5 =	sshll.u32 s28, $0x1;
	[dreg:$0x2] =	wrdreg s4  }
0xaa: {  	[dreg:$0x3] =	wrdreg s5  }
0xab: {  	[dreg:$0x4] =	wrdreg $0xC0  }
0xac: {  	_ =	task [dreg:s8], $0x5FFFF  }
0xad: {  	[dreg:$0x1] =	wrdreg $0xFFFFFFFF  }
0xae: {  	[dreg:$0x0] =	wrdreg $0x60  }
0xaf: {  	[dreg:$0x2] =	wrdreg s2  }
0xb0: {  	[dreg:$0x3] =	wrdreg s19  }
0xb1: {  	[dreg:$0x4] =	wrdreg $0x9  }
0xb2: {  	_ =	task.clear_ibuf [dreg:s8], $0x5FFFF;
	_ =	strace $0x90000046  }
0xb3: {  	s29 =	simm.s32 $0x9;
	_ =	strace $0x80000048  }
0xb4: {  	_ =	swait.ge [sflag:s29], $0x1  }
0xb5: {  	[sflag:s29] =	ssyncadd.s32 $0xFFFFFFFF  }
0xb6: {  	_ =	strace $0x90000048  }
0xb7: {  	_ =	sfence  }
0xb8: {  	s30 =	sld [smem:$0x0];
	_ =	sdelay $0x2  }
0xb9: {  	s31 =	sshll.u32 s1, $0xD;
	s1 =	sshrl.u32 s1, $0x2  }
0xba: {  	s3 =	sand.u32 $0x4000, s31;
	s1 =	sadd.s32 s1, s30  }
0xbb: {  	s0 =	sor.u32 s3, s0;
	s1 =	sshll.u32 s1, $0x11  }
0xbc: {  	s0 =	sor.u32 s1, s0  }
0xbd: {  	s0 =	sadd.s32 $0x8F2B, s0  }
0xbe: {  	[sflag:s0] =	ssyncadd.remote.s32 $0x1  }
0xbf: {  	_ =	sfence.sel $0xFFFF  }
0xc0: {  	[dreg:$0x0] =	wrdreg $0xFFFFFFFF;
	(pc) =	sbr.abs _section_cstart, $3  }
0xc1: {  	[dreg:$0x1] =	wrdreg $0xFFFFFFFF  }
0xc2: {  	_ =	task.clear_ibuf [dreg:s8], $0x2FFFF;
	_ =	strace $0x9FFFFFFF  }
0xc3: {  	(tm) =	ssettm $0x7FFFFFFF  }
tec
execute0_lowered:
.L_overlay_start_1:
0x0: {  	(tag) =	ssettag $0x1  }
0x1: {  	s1 =	srdreg.scid;
	s0 =	stileid.u32  }
0x2: {  	s29 =	sand.u32 $0x1, s1;
	s2 =	sshll.u32 s0, $0x1  }
0x3: {  	s30 =	sor.u32 s29, s2  }
0x4: {  	s28 =	rddreg [dreg:$0x0];
	s6 =	smul.u32 $0xC300, s30  }
0x5: {  	s0 =	rddreg [dreg:$0x1];
	s2 =	simm.s32 $0x0;
	s26 =	smul.u32 $0x61800, s30  }
0x6: {  	[smem:$0x7FF] =	sst s2;
	s3 =	sadd.s32 s28, s6  }
0x7: {  	_ =	strace $0x80000047;
	s24 =	sshrl.u32 s26, $0x3;
	[dreg:$0x3] =	wrdreg s3  }
0x8: {  	s10 =	sadd.s32 $0x1380, s24;
	s4 =	rddreg [dreg:$0x3]  }
0x9: {  	[tilespmem:s2], [sflag:$0x1] =	stream.linear.gather [hbm4b:s4+s2], $0x9C00, $0x38;
	[tilespmem:$0x13800] =	vst v63  }
0xa: {  	s5 =	simm.s32 $0x1;
	s3 =	sadd.s32 s28, s10;
	s4 =	simm.s32 $0x9C00  }
0xb: {  	[tilespmem:s4], [sflag:$0x2] =	stream.linear.gather [hbm4b:s3+s2], $0x9C00, $0x38;
	[tilespmem:$0x13800] =	vst v63  }
0xc: {  	_ =	swait.ge [sflag:s5], $0x9C00  }
0xd: {  	[sflag:s5] =	ssyncset.done $0x0  }
0xe: {  	s7 =	simm.s32 $0x3;
	s6 =	sadd.s32 s0, s6;
	[sflag:s5] =	ssyncadd.s32 $0xFFFF6400  }
0xf: {  	[hbm4b:s6+s2] =	stream.linear.scatter [tilespmem:s2], [sflag:$0x3], $0x9C00, $0x38;
	[tilespmem:$0x13800] =	vst v63  }
0x10: {  	_ =	swait.ge [sflag:s7], $0x9C00  }
0x11: {  	s13 =	sadd.s32 $0x2700, s24;
	[sflag:s7] =	ssyncset.done $0x0  }
0x12: {  	s9 =	simm.s32 $0x2;
	s8 =	sadd.s32 s28, s13;
	[sflag:s7] =	ssyncadd.s32 $0xFFFF6400  }
0x13: {  	[tilespmem:s2], [sflag:$0x1] =	stream.linear.gather [hbm4b:s8+s2], $0x9C00, $0x38;
	[tilespmem:$0x13800] =	vst v63  }
0x14: {  	_ =	swait.ge [sflag:s9], $0x9C00  }
0x15: {  	[sflag:s9] =	ssyncset.done $0x0  }
0x16: {  	s11 =	simm.s32 $0x4;
	s10 =	sadd.s32 s0, s10;
	[sflag:s9] =	ssyncadd.s32 $0xFFFF6400  }
0x17: {  	[hbm4b:s10+s2] =	stream.linear.scatter [tilespmem:s4], [sflag:$0x4], $0x9C00, $0x38;
	[tilespmem:$0x13800] =	vst v63  }
0x18: {  	_ =	swait.ge [sflag:s11], $0x9C00  }
0x19: {  	s15 =	sadd.s32 $0x3A80, s24;
	[sflag:s11] =	ssyncset.done $0x0  }
0x1a: {  	s12 =	sadd.s32 s28, s15;
	[sflag:s11] =	ssyncadd.s32 $0xFFFF6400  }
0x1b: {  	[tilespmem:s4], [sflag:$0x2] =	stream.linear.gather [hbm4b:s12+s2], $0x9C00, $0x38;
	[tilespmem:$0x13800] =	vst v63  }
0x1c: {  	_ =	swait.ge [sflag:s5], $0x9C00  }
0x1d: {  	[sflag:s5] =	ssyncset.done $0x0  }
0x1e: {  	s13 =	sadd.s32 s0, s13;
	[sflag:s5] =	ssyncadd.s32 $0xFFFF6400  }
0x1f: {  	[hbm4b:s13+s2] =	stream.linear.scatter [tilespmem:s2], [sflag:$0x3], $0x9C00, $0x38;
	[tilespmem:$0x13800] =	vst v63  }
0x20: {  	_ =	swait.ge [sflag:s7], $0x9C00  }
0x21: {  	s17 =	sadd.s32 $0x4E00, s24;
	[sflag:s7] =	ssyncset.done $0x0  }
0x22: {  	s14 =	sadd.s32 s28, s17;
	[sflag:s7] =	ssyncadd.s32 $0xFFFF6400  }
0x23: {  	[tilespmem:s2], [sflag:$0x1] =	stream.linear.gather [hbm4b:s14+s2], $0x9C00, $0x38;
	[tilespmem:$0x13800] =	vst v63  }
0x24: {  	_ =	swait.ge [sflag:s9], $0x9C00  }
0x25: {  	[sflag:s9] =	ssyncset.done $0x0  }
0x26: {  	s15 =	sadd.s32 s0, s15;
	[sflag:s9] =	ssyncadd.s32 $0xFFFF6400  }
0x27: {  	[hbm4b:s15+s2] =	stream.linear.scatter [tilespmem:s4], [sflag:$0x4], $0x9C00, $0x38;
	[tilespmem:$0x13800] =	vst v63  }
0x28: {  	_ =	swait.ge [sflag:s11], $0x9C00  }
0x29: {  	s19 =	sadd.s32 $0x6180, s24;
	[sflag:s11] =	ssyncset.done $0x0  }
0x2a: {  	s16 =	sadd.s32 s28, s19;
	[sflag:s11] =	ssyncadd.s32 $0xFFFF6400  }
0x2b: {  	[tilespmem:s4], [sflag:$0x2] =	stream.linear.gather [hbm4b:s16+s2], $0x9C00, $0x38;
	[tilespmem:$0x13800] =	vst v63  }
0x2c: {  	_ =	swait.ge [sflag:s5], $0x9C00  }
0x2d: {  	[sflag:s5] =	ssyncset.done $0x0  }
0x2e: {  	s17 =	sadd.s32 s0, s17;
	[sflag:s5] =	ssyncadd.s32 $0xFFFF6400  }
0x2f: {  	[hbm4b:s17+s2] =	stream.linear.scatter [tilespmem:s2], [sflag:$0x3], $0x9C00, $0x38;
	[tilespmem:$0x13800] =	vst v63  }
0x30: {  	_ =	swait.ge [sflag:s7], $0x9C00  }
0x31: {  	s21 =	sadd.s32 $0x7500, s24;
	[sflag:s7] =	ssyncset.done $0x0  }
0x32: {  	s18 =	sadd.s32 s28, s21;
	[sflag:s7] =	ssyncadd.s32 $0xFFFF6400  }
0x33: {  	[tilespmem:s2], [sflag:$0x1] =	stream.linear.gather [hbm4b:s18+s2], $0x9C00, $0x38;
	[tilespmem:$0x13800] =	vst v63  }
0x34: {  	_ =	swait.ge [sflag:s9], $0x9C00  }
0x35: {  	[sflag:s9] =	ssyncset.done $0x0  }
0x36: {  	s19 =	sadd.s32 s0, s19;
	[sflag:s9] =	ssyncadd.s32 $0xFFFF6400  }
0x37: {  	[hbm4b:s19+s2] =	stream.linear.scatter [tilespmem:s4], [sflag:$0x4], $0x9C00, $0x38;
	[tilespmem:$0x13800] =	vst v63  }
0x38: {  	_ =	swait.ge [sflag:s11], $0x9C00  }
0x39: {  	s23 =	sadd.s32 $0x8880, s24;
	[sflag:s11] =	ssyncset.done $0x0  }
0x3a: {  	s20 =	sadd.s32 s28, s23;
	[sflag:s11] =	ssyncadd.s32 $0xFFFF6400  }
0x3b: {  	[tilespmem:s4], [sflag:$0x2] =	stream.linear.gather [hbm4b:s20+s2], $0x9C00, $0x38;
	[tilespmem:$0x13800] =	vst v63  }
0x3c: {  	_ =	swait.ge [sflag:s5], $0x9C00  }
0x3d: {  	[sflag:s5] =	ssyncset.done $0x0  }
0x3e: {  	s21 =	sadd.s32 s0, s21;
	[sflag:s5] =	ssyncadd.s32 $0xFFFF6400  }
0x3f: {  	[hbm4b:s21+s2] =	stream.linear.scatter [tilespmem:s2], [sflag:$0x3], $0x9C00, $0x38;
	[tilespmem:$0x13800] =	vst v63  }
0x40: {  	_ =	swait.ge [sflag:s7], $0x9C00  }
0x41: {  	s25 =	sadd.s32 $0x9C00, s24;
	[sflag:s7] =	ssyncset.done $0x0  }
0x42: {  	s22 =	sadd.s32 s28, s25;
	[sflag:s7] =	ssyncadd.s32 $0xFFFF6400  }
0x43: {  	[tilespmem:s2], [sflag:$0x1] =	stream.linear.gather [hbm4b:s22+s2], $0x9C00, $0x38;
	[tilespmem:$0x13800] =	vst v63  }
0x44: {  	_ =	swait.ge [sflag:s9], $0x9C00  }
0x45: {  	[sflag:s9] =	ssyncset.done $0x0  }
0x46: {  	s23 =	sadd.s32 s0, s23;
	[sflag:s9] =	ssyncadd.s32 $0xFFFF6400  }
0x47: {  	[hbm4b:s23+s2] =	stream.linear.scatter [tilespmem:s4], [sflag:$0x4], $0x9C00, $0x38;
	[tilespmem:$0x13800] =	vst v63  }
0x48: {  	_ =	swait.ge [sflag:s11], $0x9C00  }
0x49: {  	s26 =	sadd.s32 $0xAF80, s24;
	[sflag:s11] =	ssyncset.done $0x0  }
0x4a: {  	s24 =	sadd.s32 s28, s26;
	[sflag:s11] =	ssyncadd.s32 $0xFFFF6400  }
0x4b: {  	[tilespmem:s4], [sflag:$0x2] =	stream.linear.gather [hbm4b:s24+s2], $0x9C00, $0x38;
	[tilespmem:$0x13800] =	vst v63  }
0x4c: {  	_ =	swait.ge [sflag:s5], $0x9C00  }
0x4d: {  	[sflag:s5] =	ssyncset.done $0x0  }
0x4e: {  	s25 =	sadd.s32 s0, s25;
	[sflag:s5] =	ssyncadd.s32 $0xFFFF6400  }
0x4f: {  	[hbm4b:s25+s2] =	stream.linear.scatter [tilespmem:s2], [sflag:$0x3], $0x9C00, $0x38;
	[tilespmem:$0x13800] =	vst v63  }
0x50: {  	_ =	swait.ge [sflag:s9], $0x9C00  }
0x51: {  	[sflag:s9] =	ssyncset.done $0x0  }
0x52: {  	s26 =	sadd.s32 s0, s26;
	[sflag:s9] =	ssyncadd.s32 $0xFFFF6400  }
0x53: {  	[hbm4b:s26+s2] =	stream.linear.scatter [tilespmem:s4], [sflag:$0x4], $0x9C00, $0x38;
	[tilespmem:$0x13800] =	vst v63  }
0x54: {  	s1 =	stileid.u32;
	s31 =	ssub.s32 $0x2, s29;
	_ =	swait.ge [sflag:s7], $0x9C00  }
0x55: {  	p0 =	sgt.u32 s1, $0x9;
	s1 =	sshrl.u32 s31, $0x1;
	[sflag:s7] =	ssyncset.done $0x0  }
0x56: {  	s29 =	sshll.u32 s30, $0x7;
	s1 =	ssub.s32 s31, s1;
	[sflag:s7] =	ssyncadd.s32 $0xFFFF6400  }
0x57: {  	s30 =	simm.s32 @!p0 $0x0;
	s1 =	smax.u32 s1, $0x1;
	_ =	swait.ge [sflag:s11], $0x9C00  }
0x58: {  	s1 =	sadd.s32 $0xFFFFFFFF, s1;
	s0 =	sor.u32 $0x186000, s29;
	[sflag:s11] =	ssyncset.done $0x0  }
0x59: {  	s29 =	sadd.s32 s28, s0;
	s28 =	simm.s32 @!p0 $0x5;
	[sflag:s11] =	ssyncadd.s32 $0xFFFF6400  }
0x5a: {  	[tilespmem:s30], [sflag:$0x5] =	stream.linear.gather @!p0 [hbm4b:s29+s30], $0x400, $0x38;
	[tilespmem:$0x13800] =	vst v63  }
0x5b: {  	p1 =	sne.s32 s1, $0x0;
	_ =	swait.ge @!p0 [sflag:s28], $0x400  }
.Ltmp0:
0x5c: {  	[sflag:s28] =	ssyncset.done @!p0 $0x0;
	(pc) =	sbr.rel @!p1 .LBB2_2-.Ltmp0, $4  }
0x5d: {  	s31 =	rddreg [dreg:$0x1]  }
0x5e: {  	[sflag:s28] =	ssyncadd.s32 @!p0 $0xFFFFFC00;
	s31 =	sadd.s32 s31, s0  }
0x5f: {  	[hbm4b:s31+s30] =	stream.linear.scatter @!p0 [tilespmem:s30], [sflag:$0x5], $0x400, $0x38;
	[tilespmem:$0x13800] =	vst v63  }
0x60: {  	_ =	swait.ge @!p0 [sflag:s28], $0x400  }
.LBB2_1:
0x61: {  	[sflag:s28] =	ssyncset.done @!p0 $0x0  }
0x62: {  	s0 =	rddreg [dreg:$0x3];
	[sflag:s28] =	ssyncadd.s32 @!p0 $0xFFFFFC00  }
0x63: {  	[tilespmem:s2], [sflag:$0x1] =	stream.linear.gather [hbm4b:s0+s2], $0x9C00, $0x38;
	[tilespmem:$0x13800] =	vst v63  }
0x64: {  	_ = 	snop  }
0x65: {  	[tilespmem:s4], [sflag:$0x2] =	stream.linear.gather [hbm4b:s3+s2], $0x9C00, $0x38;
	[tilespmem:$0x13800] =	vst v63  }
0x66: {  	_ =	swait.ge [sflag:s5], $0x9C00  }
0x67: {  	[sflag:s5] =	ssyncset.done $0x0  }
0x68: {  	[sflag:s5] =	ssyncadd.s32 $0xFFFF6400  }
0x69: {  	[hbm4b:s6+s2] =	stream.linear.scatter [tilespmem:s2], [sflag:$0x3], $0x9C00, $0x38;
	[tilespmem:$0x13800] =	vst v63  }
0x6a: {  	_ =	swait.ge [sflag:s7], $0x9C00  }
0x6b: {  	[sflag:s7] =	ssyncset.done $0x0  }
0x6c: {  	[sflag:s7] =	ssyncadd.s32 $0xFFFF6400  }
0x6d: {  	[tilespmem:s2], [sflag:$0x1] =	stream.linear.gather [hbm4b:s8+s2], $0x9C00, $0x38;
	[tilespmem:$0x13800] =	vst v63  }
0x6e: {  	_ =	swait.ge [sflag:s9], $0x9C00  }
0x6f: {  	[sflag:s9] =	ssyncset.done $0x0  }
0x70: {  	[sflag:s9] =	ssyncadd.s32 $0xFFFF6400  }
0x71: {  	[hbm4b:s10+s2] =	stream.linear.scatter [tilespmem:s4], [sflag:$0x4], $0x9C00, $0x38;
	[tilespmem:$0x13800] =	vst v63  }
0x72: {  	_ =	swait.ge [sflag:s11], $0x9C00  }
0x73: {  	[sflag:s11] =	ssyncset.done $0x0  }
0x74: {  	[sflag:s11] =	ssyncadd.s32 $0xFFFF6400  }
0x75: {  	[tilespmem:s4], [sflag:$0x2] =	stream.linear.gather [hbm4b:s12+s2], $0x9C00, $0x38;
	[tilespmem:$0x13800] =	vst v63  }
0x76: {  	_ =	swait.ge [sflag:s5], $0x9C00  }
0x77: {  	[sflag:s5] =	ssyncset.done $0x0  }
0x78: {  	[sflag:s5] =	ssyncadd.s32 $0xFFFF6400  }
0x79: {  	[hbm4b:s13+s2] =	stream.linear.scatter [tilespmem:s2], [sflag:$0x3], $0x9C00, $0x38;
	[tilespmem:$0x13800] =	vst v63  }
0x7a: {  	_ =	swait.ge [sflag:s7], $0x9C00  }
0x7b: {  	[sflag:s7] =	ssyncset.done $0x0  }
0x7c: {  	[sflag:s7] =	ssyncadd.s32 $0xFFFF6400  }
0x7d: {  	[tilespmem:s2], [sflag:$0x1] =	stream.linear.gather [hbm4b:s14+s2], $0x9C00, $0x38;
	[tilespmem:$0x13800] =	vst v63  }
0x7e: {  	_ =	swait.ge [sflag:s9], $0x9C00  }
0x7f: {  	[sflag:s9] =	ssyncset.done $0x0  }
0x80: {  	[sflag:s9] =	ssyncadd.s32 $0xFFFF6400  }
0x81: {  	[hbm4b:s15+s2] =	stream.linear.scatter [tilespmem:s4], [sflag:$0x4], $0x9C00, $0x38;
	[tilespmem:$0x13800] =	vst v63  }
0x82: {  	_ =	swait.ge [sflag:s11], $0x9C00  }
0x83: {  	[sflag:s11] =	ssyncset.done $0x0  }
0x84: {  	[sflag:s11] =	ssyncadd.s32 $0xFFFF6400  }
0x85: {  	[tilespmem:s4], [sflag:$0x2] =	stream.linear.gather [hbm4b:s16+s2], $0x9C00, $0x38;
	[tilespmem:$0x13800] =	vst v63  }
0x86: {  	_ =	swait.ge [sflag:s5], $0x9C00  }
0x87: {  	[sflag:s5] =	ssyncset.done $0x0  }
0x88: {  	[sflag:s5] =	ssyncadd.s32 $0xFFFF6400  }
0x89: {  	[hbm4b:s17+s2] =	stream.linear.scatter [tilespmem:s2], [sflag:$0x3], $0x9C00, $0x38;
	[tilespmem:$0x13800] =	vst v63  }
0x8a: {  	_ =	swait.ge [sflag:s7], $0x9C00  }
0x8b: {  	[sflag:s7] =	ssyncset.done $0x0  }
0x8c: {  	[sflag:s7] =	ssyncadd.s32 $0xFFFF6400  }
0x8d: {  	[tilespmem:s2], [sflag:$0x1] =	stream.linear.gather [hbm4b:s18+s2], $0x9C00, $0x38;
	[tilespmem:$0x13800] =	vst v63  }
0x8e: {  	_ =	swait.ge [sflag:s9], $0x9C00  }
0x8f: {  	[sflag:s9] =	ssyncset.done $0x0  }
0x90: {  	[sflag:s9] =	ssyncadd.s32 $0xFFFF6400  }
0x91: {  	[hbm4b:s19+s2] =	stream.linear.scatter [tilespmem:s4], [sflag:$0x4], $0x9C00, $0x38;
	[tilespmem:$0x13800] =	vst v63  }
0x92: {  	_ =	swait.ge [sflag:s11], $0x9C00  }
0x93: {  	[sflag:s11] =	ssyncset.done $0x0  }
0x94: {  	[sflag:s11] =	ssyncadd.s32 $0xFFFF6400  }
0x95: {  	[tilespmem:s4], [sflag:$0x2] =	stream.linear.gather [hbm4b:s20+s2], $0x9C00, $0x38;
	[tilespmem:$0x13800] =	vst v63  }
0x96: {  	_ =	swait.ge [sflag:s5], $0x9C00  }
0x97: {  	[sflag:s5] =	ssyncset.done $0x0  }
0x98: {  	[sflag:s5] =	ssyncadd.s32 $0xFFFF6400  }
0x99: {  	[hbm4b:s21+s2] =	stream.linear.scatter [tilespmem:s2], [sflag:$0x3], $0x9C00, $0x38;
	[tilespmem:$0x13800] =	vst v63  }
0x9a: {  	_ =	swait.ge [sflag:s7], $0x9C00  }
0x9b: {  	[sflag:s7] =	ssyncset.done $0x0  }
0x9c: {  	[sflag:s7] =	ssyncadd.s32 $0xFFFF6400  }
0x9d: {  	[tilespmem:s2], [sflag:$0x1] =	stream.linear.gather [hbm4b:s22+s2], $0x9C00, $0x38;
	[tilespmem:$0x13800] =	vst v63  }
0x9e: {  	_ =	swait.ge [sflag:s9], $0x9C00  }
0x9f: {  	[sflag:s9] =	ssyncset.done $0x0  }
0xa0: {  	[sflag:s9] =	ssyncadd.s32 $0xFFFF6400  }
0xa1: {  	[hbm4b:s23+s2] =	stream.linear.scatter [tilespmem:s4], [sflag:$0x4], $0x9C00, $0x38;
	[tilespmem:$0x13800] =	vst v63  }
0xa2: {  	_ =	swait.ge [sflag:s11], $0x9C00  }
0xa3: {  	[sflag:s11] =	ssyncset.done $0x0  }
0xa4: {  	[sflag:s11] =	ssyncadd.s32 $0xFFFF6400  }
0xa5: {  	[tilespmem:s4], [sflag:$0x2] =	stream.linear.gather [hbm4b:s24+s2], $0x9C00, $0x38;
	[tilespmem:$0x13800] =	vst v63  }
0xa6: {  	_ =	swait.ge [sflag:s5], $0x9C00  }
0xa7: {  	[sflag:s5] =	ssyncset.done $0x0  }
0xa8: {  	[sflag:s5] =	ssyncadd.s32 $0xFFFF6400  }
0xa9: {  	[hbm4b:s25+s2] =	stream.linear.scatter [tilespmem:s2], [sflag:$0x3], $0x9C00, $0x38;
	[tilespmem:$0x13800] =	vst v63  }
0xaa: {  	_ =	swait.ge [sflag:s9], $0x9C00  }
0xab: {  	[sflag:s9] =	ssyncset.done $0x0  }
0xac: {  	[sflag:s9] =	ssyncadd.s32 $0xFFFF6400  }
0xad: {  	[hbm4b:s26+s2] =	stream.linear.scatter [tilespmem:s4], [sflag:$0x4], $0x9C00, $0x38;
	[tilespmem:$0x13800] =	vst v63  }
0xae: {  	_ =	swait.ge [sflag:s7], $0x9C00  }
0xaf: {  	[sflag:s7] =	ssyncset.done $0x0  }
0xb0: {  	[sflag:s7] =	ssyncadd.s32 $0xFFFF6400  }
0xb1: {  	_ =	swait.ge [sflag:s11], $0x9C00  }
0xb2: {  	s1 =	sadd.s32 $0xFFFFFFFF, s1;
	[sflag:s11] =	ssyncset.done $0x0  }
0xb3: {  	p1 =	sne.s32 s1, $0x0;
	[sflag:s11] =	ssyncadd.s32 $0xFFFF6400  }
0xb4: {  	[tilespmem:s30], [sflag:$0x5] =	stream.linear.gather @!p0 [hbm4b:s29+s30], $0x400, $0x38;
	[tilespmem:$0x13800] =	vst v63  }
.Ltmp1:
0xb5: {  	_ =	swait.ge @!p0 [sflag:s28], $0x400;
	(pc) =	sbr.rel @p1 .LBB2_1-.Ltmp1, $4  }
0xb6: {  	[sflag:s28] =	ssyncset.done @!p0 $0x0  }
0xb7: {  	[sflag:s28] =	ssyncadd.s32 @!p0 $0xFFFFFC00  }
0xb8: {  	[hbm4b:s31+s30] =	stream.linear.scatter @!p0 [tilespmem:s30], [sflag:$0x5], $0x400, $0x38;
	[tilespmem:$0x13800] =	vst v63  }
0xb9: {  	_ =	swait.ge @!p0 [sflag:s28], $0x400  }
.LBB2_2:
0xba: {  	[sflag:s28] =	ssyncset.done @!p0 $0x0  }
0xbb: {  	[sflag:s28] =	ssyncadd.s32 @!p0 $0xFFFFFC00  }
0xbc: {  	_ =	sfence.sel $0x180000  }
0xbd: {  	[bflag:$0x0] =	sbarrier.arrive $0xFFFF  }
0xbe: {  	_ =	strace $0x90000047  }
0xbf: {  	s0 =	stileid.u32;
	[bflag:$0x2] =	sbarrier.arrive $0xFFFF  }
0xc0: {  	p0 =	sne.s32 s0, $0x0;
	s0 =	rddreg [dreg:$0x2]  }
0xc1: {  	s0 =	sadd.s32 @!p0 $0x100000, s0  }
0xc2: {  	[sflag:s0] =	ssyncadd.tile.s32 @!p0 $0x1;
	_ =	shalt  }
.Lfunc_end2:
_tile_overlayer_lowered:
.L_overlay_start_2:
0xc3: {  	(tag) =	ssettag $0x2  }
0xc4: {  	s0 =	rddreg [dreg:$0x0];
	s2 =	stileid.u32  }
0xc5: {  	s1 =	rddreg [dreg:$0x1];
	p0 =	sne.s32 s2, $0x0  }
0xc6: {  	s3 =	rddreg [dreg:$0x2];
	[bflag:$0x3] =	sbarrier.arrive $0xFFFF;
	s2 =	simm.s32 @!p0 $0x1C05  }
0xc7: {  	[timem:s3], [sflag:s2] =	dma.local @!p0 [hbm:s0], s1  }
0xc8: {  	s0 =	simm.s32 @!p0 $0x5  }
0xc9: {  	_ =	swait.ge @!p0 [sflag:s0], s1  }
0xca: {  	s1 =	ssub.s32 @!p0 $0x0, s1;
	[sflag:s0] =	ssyncset.done @!p0 $0x0  }
0xcb: {  	[sflag:s0] =	ssyncadd.s32 @!p0 s1  }
0xcc: {  	[bflag:$0x3] =	sbarrier.arrive $0xFFFF  }
0xcd: {  	_ =	shalt  }

</sc_bundles>
